<compile_context>
chip_gen: v7x
topology: tpu7x:2x2x1
jax: 0.10.2.dev20260603
libtpu: 0.0.44.dev20260713+nightly
codegen_flags: <defaults>
</compile_context>

<pallas_src>
import functools

import jax
import jax.numpy as jnp
from jax import lax
from jax.experimental import pallas as pl
from jax.experimental.pallas import tpu as pltpu
from jax.experimental.pallas import tpu_sc as plsc

_NUM_CORES = 2
_NUM_SUBCORES = 16
_NW = _NUM_CORES * _NUM_SUBCORES
_CHUNK = 248
_NCHUNKS = 126
_STRIPE = _CHUNK * _NCHUNKS
_NBUF = 4
_HALF = 2
_NGROUPS = 31
_TAIL_BASE = _NW * _STRIPE
_TAIL = 64


def kernel(embeds):
    rows, cols = embeds.shape
    mesh = plsc.VectorSubcoreMesh(core_axis_name="c", subcore_axis_name="s")

    @functools.partial(
        pl.kernel,
        mesh=mesh,
        out_type=jax.ShapeDtypeStruct((rows, cols), embeds.dtype),
        scratch_types=[
            pltpu.VMEM((_NBUF, _CHUNK, 64), jnp.float32),
            pltpu.SemaphoreType.DMA((_NBUF,)),
            pltpu.SemaphoreType.DMA((_NBUF,)),
        ],
    )
    def copy_kernel(in_hbm, out_hbm, buf, sem_in, sem_out):
        wid = lax.axis_index("s") * _NUM_CORES + lax.axis_index("c")
        wbase = pl.multiple_of(wid * _STRIPE, 8)

        def in_copy(k, b):
            base = pl.multiple_of(wbase + k * _CHUNK, 8)
            return pltpu.make_async_copy(
                in_hbm.at[pl.ds(base, _CHUNK)], buf.at[b], sem_in.at[b]
            )

        def out_copy(k, b):
            base = pl.multiple_of(wbase + k * _CHUNK, 8)
            return pltpu.make_async_copy(
                buf.at[b], out_hbm.at[pl.ds(base, _CHUNK)], sem_out.at[b]
            )

        in_copy(0, 0).start()
        in_copy(1, 1).start()

        def group(g, carry):
            for t in range(_NBUF):
                k = g * _NBUF + t
                in_copy(k, t).wait()
                out_copy(k, t).start()
                bp = (t + _HALF) % _NBUF
                kp = k + _HALF

                @pl.when(k >= _HALF)
                def _drain_prev_out():
                    out_copy(kp - _NBUF, bp).wait()

                in_copy(kp, bp).start()
            return carry

        lax.fori_loop(0, _NGROUPS, group, 0)

        in_copy(124, 0).wait()
        out_copy(124, 0).start()
        out_copy(122, 2).wait()
        in_copy(125, 1).wait()
        out_copy(125, 1).start()
        out_copy(123, 3).wait()
        out_copy(124, 0).wait()
        out_copy(125, 1).wait()

        @pl.when(wid == 0)
        def _copy_tail():
            pltpu.sync_copy(
                in_hbm.at[pl.ds(_TAIL_BASE, _TAIL)],
                buf.at[0, pl.ds(0, _TAIL)],
            )
            pltpu.sync_copy(
                buf.at[0, pl.ds(0, _TAIL)],
                out_hbm.at[pl.ds(_TAIL_BASE, _TAIL)],
            )

    return copy_kernel(embeds)

# --- scband reference (transcript-rebuilt; emitter-appended) ---
"""Pipeline reference for scband-hete-graph-embed-66563403154016 (READ-ONLY COPY).

The authoritative reference and input builder live on the scoring server;
editing this copy changes nothing except your own understanding.
"""

import jax, jax.numpy as jnp
import numpy as np


def setup_inputs(seed: int = 0) -> dict:
    key = jax.random.key(seed)
    num_node, embed_size = 1000000, 64
    # xavier_uniform with gain = calculate_gain('relu') = sqrt(2)
    gain = float(np.sqrt(2.0))
    bound = gain * float(np.sqrt(6.0 / (num_node + embed_size)))
    embeds = jax.random.uniform(key, (num_node, embed_size), minval=-bound, maxval=bound, dtype=jnp.float32)
    return {"embeds": embeds}


def reference(embeds):
    # HeteGraphEmbed.forward simply returns the full embedding parameter table
    # (activation/dropout are stored but not applied in forward).
    return embeds

if __name__ == "__main__":
    import jax
    _d = setup_inputs()
    print(jax.jit(kernel)(*tuple(_d.values())))

</pallas_src>

<mosaic_0001>
#map = affine_map<(d0, d1) -> (0, 0)>
module attributes {stable_mosaic.version = 14 : i64} {
  func.func @copy_kernel(%arg0: i32, %arg1: i32, %arg2: memref<1000000x64xf32, #tpu.memory_space<hbm>>, %arg3: memref<1000000x64xf32, #tpu.memory_space<hbm>>, %arg4: memref<4x248x64xf32, #tpu.memory_space<vmem>>, %arg5: memref<4x!tpu.dma_semaphore, #tpu.memory_space<semaphore_mem>>, %arg6: memref<4x!tpu.dma_semaphore, #tpu.memory_space<semaphore_mem>>) attributes {dimension_semantics = [#tpu.dimension_semantics<core_parallel>, #tpu.dimension_semantics<subcore_parallel>], iteration_bounds = array<i64: 2, 16>, scalar_prefetch = 0 : i64, scratch_operands = 3 : i64, tpu.core_type = #tpu.core_type<sc_vector_subcore>, window_params = [{transform_indices = #map}, {transform_indices = #map}]} {
    %mul3A = arith.constant 2 : i32
    %mul3A_0 = arith.muli %arg1, %mul3A : i32
    %add3A = arith.addi %mul3A_0, %arg0 : i32
    %mul3A_1 = arith.constant 31248 : i32
    %mul3A_2 = arith.muli %add3A, %mul3A_1 : i32
    %multiple_of3A = tpu.assume_multiple %mul3A_2, 8 : i32
    %add3A_3 = arith.constant 0 : i32
    %add3A_4 = arith.addi %multiple_of3A, %add3A_3 : i32
    %multiple_of3A_5 = tpu.assume_multiple %add3A_4, 8 : i32
    %dma_start3A = arith.constant 0 : i32
    %dma_start3A_6 = arith.constant 0 : i32
    %dma_start3A_7 = arith.constant 0 : i32
    %dma_start3A_8 = arith.constant 0 : i32
    %dma_start3A_9 = tpu.memref_slice %arg4[%dma_start3A, %dma_start3A_7, %dma_start3A_8] : memref<4x248x64xf32, #tpu.memory_space<vmem>> -> memref<1x248x64xf32, #tpu.memory_space<vmem>>
    %dma_start3A_10 = tpu.memref_squeeze %dma_start3A_9 : memref<1x248x64xf32, #tpu.memory_space<vmem>> -> memref<248x64xf32, #tpu.memory_space<vmem>>
    %dma_start3A_11 = arith.constant 0 : i32
    %dma_start3A_12 = tpu.memref_slice %arg2[%multiple_of3A_5, %dma_start3A_11] : memref<1000000x64xf32, #tpu.memory_space<hbm>> -> memref<248x64xf32, #tpu.memory_space<hbm>>
    %dma_start3A_13 = tpu.memref_slice %arg5[%dma_start3A_6] : memref<4x!tpu.dma_semaphore, #tpu.memory_space<semaphore_mem>> -> memref<1x!tpu.dma_semaphore, #tpu.memory_space<semaphore_mem>>
    %dma_start3A_14 = tpu.memref_squeeze %dma_start3A_13 : memref<1x!tpu.dma_semaphore, #tpu.memory_space<semaphore_mem>> -> memref<!tpu.dma_semaphore, #tpu.memory_space<semaphore_mem>>
    %dma_start3A_15 = arith.constant 0 : i32
    %dma_start3A_16 = arith.constant 0 : i32
    %dma_start3A_17 = tpu.memref_slice %arg4[%dma_start3A, %dma_start3A_15, %dma_start3A_16] : memref<4x248x64xf32, #tpu.memory_space<vmem>> -> memref<1x248x64xf32, #tpu.memory_space<vmem>>
    %dma_start3A_18 = tpu.memref_squeeze %dma_start3A_17 : memref<1x248x64xf32, #tpu.memory_space<vmem>> -> memref<248x64xf32, #tpu.memory_space<vmem>>
    %dma_start3A_19 = arith.constant 0 : i32
    %dma_start3A_20 = tpu.memref_slice %arg2[%multiple_of3A_5, %dma_start3A_19] : memref<1000000x64xf32, #tpu.memory_space<hbm>> -> memref<248x64xf32, #tpu.memory_space<hbm>>
    tpu.enqueue_dma source(%dma_start3A_20 : memref<248x64xf32, #tpu.memory_space<hbm>>) target(%dma_start3A_18 : memref<248x64xf32, #tpu.memory_space<vmem>>) target_semaphore(%dma_start3A_14 : memref<!tpu.dma_semaphore, #tpu.memory_space<semaphore_mem>>)
    %add3A_21 = arith.constant 248 : i32
    %add3A_22 = arith.addi %multiple_of3A, %add3A_21 : i32
    %multiple_of3A_23 = tpu.assume_multiple %add3A_22, 8 : i32
    %dma_start3A_24 = arith.constant 1 : i32
    %dma_start3A_25 = arith.constant 1 : i32
    %dma_start3A_26 = arith.constant 0 : i32
    %dma_start3A_27 = arith.constant 0 : i32
    %dma_start3A_28 = tpu.memref_slice %arg4[%dma_start3A_24, %dma_start3A_26, %dma_start3A_27] : memref<4x248x64xf32, #tpu.memory_space<vmem>> -> memref<1x248x64xf32, #tpu.memory_space<vmem>>
    %dma_start3A_29 = tpu.memref_squeeze %dma_start3A_28 : memref<1x248x64xf32, #tpu.memory_space<vmem>> -> memref<248x64xf32, #tpu.memory_space<vmem>>
    %dma_start3A_30 = arith.constant 0 : i32
    %dma_start3A_31 = tpu.memref_slice %arg2[%multiple_of3A_23, %dma_start3A_30] : memref<1000000x64xf32, #tpu.memory_space<hbm>> -> memref<248x64xf32, #tpu.memory_space<hbm>>
    %dma_start3A_32 = tpu.memref_slice %arg5[%dma_start3A_25] : memref<4x!tpu.dma_semaphore, #tpu.memory_space<semaphore_mem>> -> memref<1x!tpu.dma_semaphore, #tpu.memory_space<semaphore_mem>>
    %dma_start3A_33 = tpu.memref_squeeze %dma_start3A_32 : memref<1x!tpu.dma_semaphore, #tpu.memory_space<semaphore_mem>> -> memref<!tpu.dma_semaphore, #tpu.memory_space<semaphore_mem>>
    %dma_start3A_34 = arith.constant 0 : i32
    %dma_start3A_35 = arith.constant 0 : i32
    %dma_start3A_36 = tpu.memref_slice %arg4[%dma_start3A_24, %dma_start3A_34, %dma_start3A_35] : memref<4x248x64xf32, #tpu.memory_space<vmem>> -> memref<1x248x64xf32, #tpu.memory_space<vmem>>
    %dma_start3A_37 = tpu.memref_squeeze %dma_start3A_36 : memref<1x248x64xf32, #tpu.memory_space<vmem>> -> memref<248x64xf32, #tpu.memory_space<vmem>>
    %dma_start3A_38 = arith.constant 0 : i32
    %dma_start3A_39 = tpu.memref_slice %arg2[%multiple_of3A_23, %dma_start3A_38] : memref<1000000x64xf32, #tpu.memory_space<hbm>> -> memref<248x64xf32, #tpu.memory_space<hbm>>
    tpu.enqueue_dma source(%dma_start3A_39 : memref<248x64xf32, #tpu.memory_space<hbm>>) target(%dma_start3A_37 : memref<248x64xf32, #tpu.memory_space<vmem>>) target_semaphore(%dma_start3A_33 : memref<!tpu.dma_semaphore, #tpu.memory_space<semaphore_mem>>)
    %scan3A = arith.constant 0 : i32
    %scan3A_40 = arith.constant 0 : i32
    %scan3A_41 = arith.constant 31 : i32
    %scan3A_42 = arith.addi %scan3A_40, %scan3A_41 : i32
    %scan3A_43 = arith.constant 1 : i32
    scf.for %scan3A_198 = %scan3A_40 to %scan3A_42 step %scan3A_43  : i32 {
      %mul3A_199 = arith.constant 4 : i32
      %mul3A_200 = arith.muli %scan3A_198, %mul3A_199 : i32
      %add3A_201 = arith.constant 0 : i32
      %add3A_202 = arith.addi %mul3A_200, %add3A_201 : i32
      %mul3A_203 = arith.constant 248 : i32
      %mul3A_204 = arith.muli %add3A_202, %mul3A_203 : i32
      %add3A_205 = arith.addi %multiple_of3A, %mul3A_204 : i32
      %multiple_of3A_206 = tpu.assume_multiple %add3A_205, 8 : i32
      %dma_wait3A_207 = arith.constant 0 : i32
      %dma_wait3A_208 = arith.constant 0 : i32
      %dma_wait3A_209 = arith.constant 0 : i32
      %dma_wait3A_210 = arith.constant 0 : i32
      %dma_wait3A_211 = tpu.memref_slice %arg4[%dma_wait3A_207, %dma_wait3A_209, %dma_wait3A_210] : memref<4x248x64xf32, #tpu.memory_space<vmem>> -> memref<1x248x64xf32, #tpu.memory_space<vmem>>
      %dma_wait3A_212 = tpu.memref_squeeze %dma_wait3A_211 : memref<1x248x64xf32, #tpu.memory_space<vmem>> -> memref<248x64xf32, #tpu.memory_space<vmem>>
      %dma_wait3A_213 = arith.constant 0 : i32
      %dma_wait3A_214 = tpu.memref_slice %arg2[%multiple_of3A_206, %dma_wait3A_213] : memref<1000000x64xf32, #tpu.memory_space<hbm>> -> memref<248x64xf32, #tpu.memory_space<hbm>>
      %dma_wait3A_215 = tpu.memref_slice %arg5[%dma_wait3A_208] : memref<4x!tpu.dma_semaphore, #tpu.memory_space<semaphore_mem>> -> memref<1x!tpu.dma_semaphore, #tpu.memory_space<semaphore_mem>>
      %dma_wait3A_216 = tpu.memref_squeeze %dma_wait3A_215 : memref<1x!tpu.dma_semaphore, #tpu.memory_space<semaphore_mem>> -> memref<!tpu.dma_semaphore, #tpu.memory_space<semaphore_mem>>
      %dma_wait3A_217 = arith.constant 0 : i32
      %dma_wait3A_218 = arith.constant 0 : i32
      %dma_wait3A_219 = tpu.memref_slice %arg4[%dma_wait3A_207, %dma_wait3A_217, %dma_wait3A_218] : memref<4x248x64xf32, #tpu.memory_space<vmem>> -> memref<1x248x64xf32, #tpu.memory_space<vmem>>
      %dma_wait3A_220 = tpu.memref_squeeze %dma_wait3A_219 : memref<1x248x64xf32, #tpu.memory_space<vmem>> -> memref<248x64xf32, #tpu.memory_space<vmem>>
      %dma_wait3A_221 = arith.constant 0 : i32
      %dma_wait3A_222 = tpu.memref_slice %arg2[%multiple_of3A_206, %dma_wait3A_221] : memref<1000000x64xf32, #tpu.memory_space<hbm>> -> memref<248x64xf32, #tpu.memory_space<hbm>>
      tpu.wait_dma2 semaphore(%dma_wait3A_216 : memref<!tpu.dma_semaphore, #tpu.memory_space<semaphore_mem>>) src(%dma_wait3A_222 : memref<248x64xf32, #tpu.memory_space<hbm>>) dst(%dma_wait3A_220 : memref<248x64xf32, #tpu.memory_space<vmem>>)
      %mul3A_223 = arith.constant 248 : i32
      %mul3A_224 = arith.muli %add3A_202, %mul3A_223 : i32
      %add3A_225 = arith.addi %multiple_of3A, %mul3A_224 : i32
      %multiple_of3A_226 = tpu.assume_multiple %add3A_225, 8 : i32
      %dma_start3A_227 = arith.constant 0 : i32
      %dma_start3A_228 = arith.constant 0 : i32
      %dma_start3A_229 = arith.constant 0 : i32
      %dma_start3A_230 = arith.constant 0 : i32
      %dma_start3A_231 = tpu.memref_slice %arg4[%dma_start3A_227, %dma_start3A_229, %dma_start3A_230] : memref<4x248x64xf32, #tpu.memory_space<vmem>> -> memref<1x248x64xf32, #tpu.memory_space<vmem>>
      %dma_start3A_232 = tpu.memref_squeeze %dma_start3A_231 : memref<1x248x64xf32, #tpu.memory_space<vmem>> -> memref<248x64xf32, #tpu.memory_space<vmem>>
      %dma_start3A_233 = arith.constant 0 : i32
      %dma_start3A_234 = tpu.memref_slice %arg3[%multiple_of3A_226, %dma_start3A_233] : memref<1000000x64xf32, #tpu.memory_space<hbm>> -> memref<248x64xf32, #tpu.memory_space<hbm>>
      %dma_start3A_235 = tpu.memref_slice %arg6[%dma_start3A_228] : memref<4x!tpu.dma_semaphore, #tpu.memory_space<semaphore_mem>> -> memref<1x!tpu.dma_semaphore, #tpu.memory_space<semaphore_mem>>
      %dma_start3A_236 = tpu.memref_squeeze %dma_start3A_235 : memref<1x!tpu.dma_semaphore, #tpu.memory_space<semaphore_mem>> -> memref<!tpu.dma_semaphore, #tpu.memory_space<semaphore_mem>>
      %dma_start3A_237 = arith.constant 0 : i32
      %dma_start3A_238 = tpu.memref_slice %arg3[%multiple_of3A_226, %dma_start3A_237] : memref<1000000x64xf32, #tpu.memory_space<hbm>> -> memref<248x64xf32, #tpu.memory_space<hbm>>
      %dma_start3A_239 = arith.constant 0 : i32
      %dma_start3A_240 = arith.constant 0 : i32
      %dma_start3A_241 = tpu.memref_slice %arg4[%dma_start3A_227, %dma_start3A_239, %dma_start3A_240] : memref<4x248x64xf32, #tpu.memory_space<vmem>> -> memref<1x248x64xf32, #tpu.memory_space<vmem>>
      %dma_start3A_242 = tpu.memref_squeeze %dma_start3A_241 : memref<1x248x64xf32, #tpu.memory_space<vmem>> -> memref<248x64xf32, #tpu.memory_space<vmem>>
      tpu.enqueue_dma source(%dma_start3A_242 : memref<248x64xf32, #tpu.memory_space<vmem>>) target(%dma_start3A_238 : memref<248x64xf32, #tpu.memory_space<hbm>>) target_semaphore(%dma_start3A_236 : memref<!tpu.dma_semaphore, #tpu.memory_space<semaphore_mem>>)
      %add3A_243 = arith.constant 2 : i32
      %add3A_244 = arith.addi %add3A_202, %add3A_243 : i32
      %ge3A = arith.constant 2 : i32
      %ge3A_245 = arith.cmpi sge, %add3A_202, %ge3A : i32
      %convert_element_type3A_246 = arith.extui %ge3A_245 : i1 to i32
      %cond3A_247 = arith.constant 0 : i32
      %cond3A_248 = arith.cmpi ne, %convert_element_type3A_246, %cond3A_247 : i32
      scf.if %cond3A_248 {
        %sub3A = arith.constant 4 : i32
        %sub3A_482 = arith.subi %add3A_244, %sub3A : i32
        %mul3A_483 = arith.constant 248 : i32
        %mul3A_484 = arith.muli %sub3A_482, %mul3A_483 : i32
        %add3A_485 = arith.addi %multiple_of3A, %mul3A_484 : i32
        %multiple_of3A_486 = tpu.assume_multiple %add3A_485, 8 : i32
        %dma_wait3A_487 = arith.constant 2 : i32
        %dma_wait3A_488 = arith.constant 2 : i32
        %dma_wait3A_489 = arith.constant 0 : i32
        %dma_wait3A_490 = arith.constant 0 : i32
        %dma_wait3A_491 = tpu.memref_slice %arg4[%dma_wait3A_487, %dma_wait3A_489, %dma_wait3A_490] : memref<4x248x64xf32, #tpu.memory_space<vmem>> -> memref<1x248x64xf32, #tpu.memory_space<vmem>>
        %dma_wait3A_492 = tpu.memref_squeeze %dma_wait3A_491 : memref<1x248x64xf32, #tpu.memory_space<vmem>> -> memref<248x64xf32, #tpu.memory_space<vmem>>
        %dma_wait3A_493 = arith.constant 0 : i32
        %dma_wait3A_494 = tpu.memref_slice %arg3[%multiple_of3A_486, %dma_wait3A_493] : memref<1000000x64xf32, #tpu.memory_space<hbm>> -> memref<248x64xf32, #tpu.memory_space<hbm>>
        %dma_wait3A_495 = tpu.memref_slice %arg6[%dma_wait3A_488] : memref<4x!tpu.dma_semaphore, #tpu.memory_space<semaphore_mem>> -> memref<1x!tpu.dma_semaphore, #tpu.memory_space<semaphore_mem>>
        %dma_wait3A_496 = tpu.memref_squeeze %dma_wait3A_495 : memref<1x!tpu.dma_semaphore, #tpu.memory_space<semaphore_mem>> -> memref<!tpu.dma_semaphore, #tpu.memory_space<semaphore_mem>>
        %dma_wait3A_497 = arith.constant 0 : i32
        %dma_wait3A_498 = tpu.memref_slice %arg3[%multiple_of3A_486, %dma_wait3A_497] : memref<1000000x64xf32, #tpu.memory_space<hbm>> -> memref<248x64xf32, #tpu.memory_space<hbm>>
        %dma_wait3A_499 = arith.constant 0 : i32
        %dma_wait3A_500 = arith.constant 0 : i32
        %dma_wait3A_501 = tpu.memref_slice %arg4[%dma_wait3A_487, %dma_wait3A_499, %dma_wait3A_500] : memref<4x248x64xf32, #tpu.memory_space<vmem>> -> memref<1x248x64xf32, #tpu.memory_space<vmem>>
        %dma_wait3A_502 = tpu.memref_squeeze %dma_wait3A_501 : memref<1x248x64xf32, #tpu.memory_space<vmem>> -> memref<248x64xf32, #tpu.memory_space<vmem>>
        tpu.wait_dma2 semaphore(%dma_wait3A_496 : memref<!tpu.dma_semaphore, #tpu.memory_space<semaphore_mem>>) src(%dma_wait3A_502 : memref<248x64xf32, #tpu.memory_space<vmem>>) dst(%dma_wait3A_498 : memref<248x64xf32, #tpu.memory_space<hbm>>)
      } else {
      }
      %mul3A_249 = arith.constant 248 : i32
      %mul3A_250 = arith.muli %add3A_244, %mul3A_249 : i32
      %add3A_251 = arith.addi %multiple_of3A, %mul3A_250 : i32
      %multiple_of3A_252 = tpu.assume_multiple %add3A_251, 8 : i32
      %dma_start3A_253 = arith.constant 2 : i32
      %dma_start3A_254 = arith.constant 2 : i32
      %dma_start3A_255 = arith.constant 0 : i32
      %dma_start3A_256 = arith.constant 0 : i32
      %dma_start3A_257 = tpu.memref_slice %arg4[%dma_start3A_253, %dma_start3A_255, %dma_start3A_256] : memref<4x248x64xf32, #tpu.memory_space<vmem>> -> memref<1x248x64xf32, #tpu.memory_space<vmem>>
      %dma_start3A_258 = tpu.memref_squeeze %dma_start3A_257 : memref<1x248x64xf32, #tpu.memory_space<vmem>> -> memref<248x64xf32, #tpu.memory_space<vmem>>
      %dma_start3A_259 = arith.constant 0 : i32
      %dma_start3A_260 = tpu.memref_slice %arg2[%multiple_of3A_252, %dma_start3A_259] : memref<1000000x64xf32, #tpu.memory_space<hbm>> -> memref<248x64xf32, #tpu.memory_space<hbm>>
      %dma_start3A_261 = tpu.memref_slice %arg5[%dma_start3A_254] : memref<4x!tpu.dma_semaphore, #tpu.memory_space<semaphore_mem>> -> memref<1x!tpu.dma_semaphore, #tpu.memory_space<semaphore_mem>>
      %dma_start3A_262 = tpu.memref_squeeze %dma_start3A_261 : memref<1x!tpu.dma_semaphore, #tpu.memory_space<semaphore_mem>> -> memref<!tpu.dma_semaphore, #tpu.memory_space<semaphore_mem>>
      %dma_start3A_263 = arith.constant 0 : i32
      %dma_start3A_264 = arith.constant 0 : i32
      %dma_start3A_265 = tpu.memref_slice %arg4[%dma_start3A_253, %dma_start3A_263, %dma_start3A_264] : memref<4x248x64xf32, #tpu.memory_space<vmem>> -> memref<1x248x64xf32, #tpu.memory_space<vmem>>
      %dma_start3A_266 = tpu.memref_squeeze %dma_start3A_265 : memref<1x248x64xf32, #tpu.memory_space<vmem>> -> memref<248x64xf32, #tpu.memory_space<vmem>>
      %dma_start3A_267 = arith.constant 0 : i32
      %dma_start3A_268 = tpu.memref_slice %arg2[%multiple_of3A_252, %dma_start3A_267] : memref<1000000x64xf32, #tpu.memory_space<hbm>> -> memref<248x64xf32, #tpu.memory_space<hbm>>
      tpu.enqueue_dma source(%dma_start3A_268 : memref<248x64xf32, #tpu.memory_space<hbm>>) target(%dma_start3A_266 : memref<248x64xf32, #tpu.memory_space<vmem>>) target_semaphore(%dma_start3A_262 : memref<!tpu.dma_semaphore, #tpu.memory_space<semaphore_mem>>)
      %mul3A_269 = arith.constant 4 : i32
      %mul3A_270 = arith.muli %scan3A_198, %mul3A_269 : i32
      %add3A_271 = arith.constant 1 : i32
      %add3A_272 = arith.addi %mul3A_270, %add3A_271 : i32
      %mul3A_273 = arith.constant 248 : i32
      %mul3A_274 = arith.muli %add3A_272, %mul3A_273 : i32
      %add3A_275 = arith.addi %multiple_of3A, %mul3A_274 : i32
      %multiple_of3A_276 = tpu.assume_multiple %add3A_275, 8 : i32
      %dma_wait3A_277 = arith.constant 1 : i32
      %dma_wait3A_278 = arith.constant 1 : i32
      %dma_wait3A_279 = arith.constant 0 : i32
      %dma_wait3A_280 = arith.constant 0 : i32
      %dma_wait3A_281 = tpu.memref_slice %arg4[%dma_wait3A_277, %dma_wait3A_279, %dma_wait3A_280] : memref<4x248x64xf32, #tpu.memory_space<vmem>> -> memref<1x248x64xf32, #tpu.memory_space<vmem>>
      %dma_wait3A_282 = tpu.memref_squeeze %dma_wait3A_281 : memref<1x248x64xf32, #tpu.memory_space<vmem>> -> memref<248x64xf32, #tpu.memory_space<vmem>>
      %dma_wait3A_283 = arith.constant 0 : i32
      %dma_wait3A_284 = tpu.memref_slice %arg2[%multiple_of3A_276, %dma_wait3A_283] : memref<1000000x64xf32, #tpu.memory_space<hbm>> -> memref<248x64xf32, #tpu.memory_space<hbm>>
      %dma_wait3A_285 = tpu.memref_slice %arg5[%dma_wait3A_278] : memref<4x!tpu.dma_semaphore, #tpu.memory_space<semaphore_mem>> -> memref<1x!tpu.dma_semaphore, #tpu.memory_space<semaphore_mem>>
      %dma_wait3A_286 = tpu.memref_squeeze %dma_wait3A_285 : memref<1x!tpu.dma_semaphore, #tpu.memory_space<semaphore_mem>> -> memref<!tpu.dma_semaphore, #tpu.memory_space<semaphore_mem>>
      %dma_wait3A_287 = arith.constant 0 : i32
      %dma_wait3A_288 = arith.constant 0 : i32
      %dma_wait3A_289 = tpu.memref_slice %arg4[%dma_wait3A_277, %dma_wait3A_287, %dma_wait3A_288] : memref<4x248x64xf32, #tpu.memory_space<vmem>> -> memref<1x248x64xf32, #tpu.memory_space<vmem>>
      %dma_wait3A_290 = tpu.memref_squeeze %dma_wait3A_289 : memref<1x248x64xf32, #tpu.memory_space<vmem>> -> memref<248x64xf32, #tpu.memory_space<vmem>>
      %dma_wait3A_291 = arith.constant 0 : i32
      %dma_wait3A_292 = tpu.memref_slice %arg2[%multiple_of3A_276, %dma_wait3A_291] : memref<1000000x64xf32, #tpu.memory_space<hbm>> -> memref<248x64xf32, #tpu.memory_space<hbm>>
      tpu.wait_dma2 semaphore(%dma_wait3A_286 : memref<!tpu.dma_semaphore, #tpu.memory_space<semaphore_mem>>) src(%dma_wait3A_292 : memref<248x64xf32, #tpu.memory_space<hbm>>) dst(%dma_wait3A_290 : memref<248x64xf32, #tpu.memory_space<vmem>>)
      %mul3A_293 = arith.constant 248 : i32
      %mul3A_294 = arith.muli %add3A_272, %mul3A_293 : i32
      %add3A_295 = arith.addi %multiple_of3A, %mul3A_294 : i32
      %multiple_of3A_296 = tpu.assume_multiple %add3A_295, 8 : i32
      %dma_start3A_297 = arith.constant 1 : i32
      %dma_start3A_298 = arith.constant 1 : i32
      %dma_start3A_299 = arith.constant 0 : i32
      %dma_start3A_300 = arith.constant 0 : i32
      %dma_start3A_301 = tpu.memref_slice %arg4[%dma_start3A_297, %dma_start3A_299, %dma_start3A_300] : memref<4x248x64xf32, #tpu.memory_space<vmem>> -> memref<1x248x64xf32, #tpu.memory_space<vmem>>
      %dma_start3A_302 = tpu.memref_squeeze %dma_start3A_301 : memref<1x248x64xf32, #tpu.memory_space<vmem>> -> memref<248x64xf32, #tpu.memory_space<vmem>>
      %dma_start3A_303 = arith.constant 0 : i32
      %dma_start3A_304 = tpu.memref_slice %arg3[%multiple_of3A_296, %dma_start3A_303] : memref<1000000x64xf32, #tpu.memory_space<hbm>> -> memref<248x64xf32, #tpu.memory_space<hbm>>
      %dma_start3A_305 = tpu.memref_slice %arg6[%dma_start3A_298] : memref<4x!tpu.dma_semaphore, #tpu.memory_space<semaphore_mem>> -> memref<1x!tpu.dma_semaphore, #tpu.memory_space<semaphore_mem>>
      %dma_start3A_306 = tpu.memref_squeeze %dma_start3A_305 : memref<1x!tpu.dma_semaphore, #tpu.memory_space<semaphore_mem>> -> memref<!tpu.dma_semaphore, #tpu.memory_space<semaphore_mem>>
      %dma_start3A_307 = arith.constant 0 : i32
      %dma_start3A_308 = tpu.memref_slice %arg3[%multiple_of3A_296, %dma_start3A_307] : memref<1000000x64xf32, #tpu.memory_space<hbm>> -> memref<248x64xf32, #tpu.memory_space<hbm>>
      %dma_start3A_309 = arith.constant 0 : i32
      %dma_start3A_310 = arith.constant 0 : i32
      %dma_start3A_311 = tpu.memref_slice %arg4[%dma_start3A_297, %dma_start3A_309, %dma_start3A_310] : memref<4x248x64xf32, #tpu.memory_space<vmem>> -> memref<1x248x64xf32, #tpu.memory_space<vmem>>
      %dma_start3A_312 = tpu.memref_squeeze %dma_start3A_311 : memref<1x248x64xf32, #tpu.memory_space<vmem>> -> memref<248x64xf32, #tpu.memory_space<vmem>>
      tpu.enqueue_dma source(%dma_start3A_312 : memref<248x64xf32, #tpu.memory_space<vmem>>) target(%dma_start3A_308 : memref<248x64xf32, #tpu.memory_space<hbm>>) target_semaphore(%dma_start3A_306 : memref<!tpu.dma_semaphore, #tpu.memory_space<semaphore_mem>>)
      %add3A_313 = arith.constant 2 : i32
      %add3A_314 = arith.addi %add3A_272, %add3A_313 : i32
      %ge3A_315 = arith.constant 2 : i32
      %ge3A_316 = arith.cmpi sge, %add3A_272, %ge3A_315 : i32
      %convert_element_type3A_317 = arith.extui %ge3A_316 : i1 to i32
      %cond3A_318 = arith.constant 0 : i32
      %cond3A_319 = arith.cmpi ne, %convert_element_type3A_317, %cond3A_318 : i32
      scf.if %cond3A_319 {
        %sub3A = arith.constant 4 : i32
        %sub3A_482 = arith.subi %add3A_314, %sub3A : i32
        %mul3A_483 = arith.constant 248 : i32
        %mul3A_484 = arith.muli %sub3A_482, %mul3A_483 : i32
        %add3A_485 = arith.addi %multiple_of3A, %mul3A_484 : i32
        %multiple_of3A_486 = tpu.assume_multiple %add3A_485, 8 : i32
        %dma_wait3A_487 = arith.constant 3 : i32
        %dma_wait3A_488 = arith.constant 3 : i32
        %dma_wait3A_489 = arith.constant 0 : i32
        %dma_wait3A_490 = arith.constant 0 : i32
        %dma_wait3A_491 = tpu.memref_slice %arg4[%dma_wait3A_487, %dma_wait3A_489, %dma_wait3A_490] : memref<4x248x64xf32, #tpu.memory_space<vmem>> -> memref<1x248x64xf32, #tpu.memory_space<vmem>>
        %dma_wait3A_492 = tpu.memref_squeeze %dma_wait3A_491 : memref<1x248x64xf32, #tpu.memory_space<vmem>> -> memref<248x64xf32, #tpu.memory_space<vmem>>
        %dma_wait3A_493 = arith.constant 0 : i32
        %dma_wait3A_494 = tpu.memref_slice %arg3[%multiple_of3A_486, %dma_wait3A_493] : memref<1000000x64xf32, #tpu.memory_space<hbm>> -> memref<248x64xf32, #tpu.memory_space<hbm>>
        %dma_wait3A_495 = tpu.memref_slice %arg6[%dma_wait3A_488] : memref<4x!tpu.dma_semaphore, #tpu.memory_space<semaphore_mem>> -> memref<1x!tpu.dma_semaphore, #tpu.memory_space<semaphore_mem>>
        %dma_wait3A_496 = tpu.memref_squeeze %dma_wait3A_495 : memref<1x!tpu.dma_semaphore, #tpu.memory_space<semaphore_mem>> -> memref<!tpu.dma_semaphore, #tpu.memory_space<semaphore_mem>>
        %dma_wait3A_497 = arith.constant 0 : i32
        %dma_wait3A_498 = tpu.memref_slice %arg3[%multiple_of3A_486, %dma_wait3A_497] : memref<1000000x64xf32, #tpu.memory_space<hbm>> -> memref<248x64xf32, #tpu.memory_space<hbm>>
        %dma_wait3A_499 = arith.constant 0 : i32
        %dma_wait3A_500 = arith.constant 0 : i32
        %dma_wait3A_501 = tpu.memref_slice %arg4[%dma_wait3A_487, %dma_wait3A_499, %dma_wait3A_500] : memref<4x248x64xf32, #tpu.memory_space<vmem>> -> memref<1x248x64xf32, #tpu.memory_space<vmem>>
        %dma_wait3A_502 = tpu.memref_squeeze %dma_wait3A_501 : memref<1x248x64xf32, #tpu.memory_space<vmem>> -> memref<248x64xf32, #tpu.memory_space<vmem>>
        tpu.wait_dma2 semaphore(%dma_wait3A_496 : memref<!tpu.dma_semaphore, #tpu.memory_space<semaphore_mem>>) src(%dma_wait3A_502 : memref<248x64xf32, #tpu.memory_space<vmem>>) dst(%dma_wait3A_498 : memref<248x64xf32, #tpu.memory_space<hbm>>)
      } else {
      }
      %mul3A_320 = arith.constant 248 : i32
      %mul3A_321 = arith.muli %add3A_314, %mul3A_320 : i32
      %add3A_322 = arith.addi %multiple_of3A, %mul3A_321 : i32
      %multiple_of3A_323 = tpu.assume_multiple %add3A_322, 8 : i32
      %dma_start3A_324 = arith.constant 3 : i32
      %dma_start3A_325 = arith.constant 3 : i32
      %dma_start3A_326 = arith.constant 0 : i32
      %dma_start3A_327 = arith.constant 0 : i32
      %dma_start3A_328 = tpu.memref_slice %arg4[%dma_start3A_324, %dma_start3A_326, %dma_start3A_327] : memref<4x248x64xf32, #tpu.memory_space<vmem>> -> memref<1x248x64xf32, #tpu.memory_space<vmem>>
      %dma_start3A_329 = tpu.memref_squeeze %dma_start3A_328 : memref<1x248x64xf32, #tpu.memory_space<vmem>> -> memref<248x64xf32, #tpu.memory_space<vmem>>
      %dma_start3A_330 = arith.constant 0 : i32
      %dma_start3A_331 = tpu.memref_slice %arg2[%multiple_of3A_323, %dma_start3A_330] : memref<1000000x64xf32, #tpu.memory_space<hbm>> -> memref<248x64xf32, #tpu.memory_space<hbm>>
      %dma_start3A_332 = tpu.memref_slice %arg5[%dma_start3A_325] : memref<4x!tpu.dma_semaphore, #tpu.memory_space<semaphore_mem>> -> memref<1x!tpu.dma_semaphore, #tpu.memory_space<semaphore_mem>>
      %dma_start3A_333 = tpu.memref_squeeze %dma_start3A_332 : memref<1x!tpu.dma_semaphore, #tpu.memory_space<semaphore_mem>> -> memref<!tpu.dma_semaphore, #tpu.memory_space<semaphore_mem>>
      %dma_start3A_334 = arith.constant 0 : i32
      %dma_start3A_335 = arith.constant 0 : i32
      %dma_start3A_336 = tpu.memref_slice %arg4[%dma_start3A_324, %dma_start3A_334, %dma_start3A_335] : memref<4x248x64xf32, #tpu.memory_space<vmem>> -> memref<1x248x64xf32, #tpu.memory_space<vmem>>
      %dma_start3A_337 = tpu.memref_squeeze %dma_start3A_336 : memref<1x248x64xf32, #tpu.memory_space<vmem>> -> memref<248x64xf32, #tpu.memory_space<vmem>>
      %dma_start3A_338 = arith.constant 0 : i32
      %dma_start3A_339 = tpu.memref_slice %arg2[%multiple_of3A_323, %dma_start3A_338] : memref<1000000x64xf32, #tpu.memory_space<hbm>> -> memref<248x64xf32, #tpu.memory_space<hbm>>
      tpu.enqueue_dma source(%dma_start3A_339 : memref<248x64xf32, #tpu.memory_space<hbm>>) target(%dma_start3A_337 : memref<248x64xf32, #tpu.memory_space<vmem>>) target_semaphore(%dma_start3A_333 : memref<!tpu.dma_semaphore, #tpu.memory_space<semaphore_mem>>)
      %mul3A_340 = arith.constant 4 : i32
      %mul3A_341 = arith.muli %scan3A_198, %mul3A_340 : i32
      %add3A_342 = arith.constant 2 : i32
      %add3A_343 = arith.addi %mul3A_341, %add3A_342 : i32
      %mul3A_344 = arith.constant 248 : i32
      %mul3A_345 = arith.muli %add3A_343, %mul3A_344 : i32
      %add3A_346 = arith.addi %multiple_of3A, %mul3A_345 : i32
      %multiple_of3A_347 = tpu.assume_multiple %add3A_346, 8 : i32
      %dma_wait3A_348 = arith.constant 2 : i32
      %dma_wait3A_349 = arith.constant 2 : i32
      %dma_wait3A_350 = arith.constant 0 : i32
      %dma_wait3A_351 = arith.constant 0 : i32
      %dma_wait3A_352 = tpu.memref_slice %arg4[%dma_wait3A_348, %dma_wait3A_350, %dma_wait3A_351] : memref<4x248x64xf32, #tpu.memory_space<vmem>> -> memref<1x248x64xf32, #tpu.memory_space<vmem>>
      %dma_wait3A_353 = tpu.memref_squeeze %dma_wait3A_352 : memref<1x248x64xf32, #tpu.memory_space<vmem>> -> memref<248x64xf32, #tpu.memory_space<vmem>>
      %dma_wait3A_354 = arith.constant 0 : i32
      %dma_wait3A_355 = tpu.memref_slice %arg2[%multiple_of3A_347, %dma_wait3A_354] : memref<1000000x64xf32, #tpu.memory_space<hbm>> -> memref<248x64xf32, #tpu.memory_space<hbm>>
      %dma_wait3A_356 = tpu.memref_slice %arg5[%dma_wait3A_349] : memref<4x!tpu.dma_semaphore, #tpu.memory_space<semaphore_mem>> -> memref<1x!tpu.dma_semaphore, #tpu.memory_space<semaphore_mem>>
      %dma_wait3A_357 = tpu.memref_squeeze %dma_wait3A_356 : memref<1x!tpu.dma_semaphore, #tpu.memory_space<semaphore_mem>> -> memref<!tpu.dma_semaphore, #tpu.memory_space<semaphore_mem>>
      %dma_wait3A_358 = arith.constant 0 : i32
      %dma_wait3A_359 = arith.constant 0 : i32
      %dma_wait3A_360 = tpu.memref_slice %arg4[%dma_wait3A_348, %dma_wait3A_358, %dma_wait3A_359] : memref<4x248x64xf32, #tpu.memory_space<vmem>> -> memref<1x248x64xf32, #tpu.memory_space<vmem>>
      %dma_wait3A_361 = tpu.memref_squeeze %dma_wait3A_360 : memref<1x248x64xf32, #tpu.memory_space<vmem>> -> memref<248x64xf32, #tpu.memory_space<vmem>>
      %dma_wait3A_362 = arith.constant 0 : i32
      %dma_wait3A_363 = tpu.memref_slice %arg2[%multiple_of3A_347, %dma_wait3A_362] : memref<1000000x64xf32, #tpu.memory_space<hbm>> -> memref<248x64xf32, #tpu.memory_space<hbm>>
      tpu.wait_dma2 semaphore(%dma_wait3A_357 : memref<!tpu.dma_semaphore, #tpu.memory_space<semaphore_mem>>) src(%dma_wait3A_363 : memref<248x64xf32, #tpu.memory_space<hbm>>) dst(%dma_wait3A_361 : memref<248x64xf32, #tpu.memory_space<vmem>>)
      %mul3A_364 = arith.constant 248 : i32
      %mul3A_365 = arith.muli %add3A_343, %mul3A_364 : i32
      %add3A_366 = arith.addi %multiple_of3A, %mul3A_365 : i32
      %multiple_of3A_367 = tpu.assume_multiple %add3A_366, 8 : i32
      %dma_start3A_368 = arith.constant 2 : i32
      %dma_start3A_369 = arith.constant 2 : i32
      %dma_start3A_370 = arith.constant 0 : i32
      %dma_start3A_371 = arith.constant 0 : i32
      %dma_start3A_372 = tpu.memref_slice %arg4[%dma_start3A_368, %dma_start3A_370, %dma_start3A_371] : memref<4x248x64xf32, #tpu.memory_space<vmem>> -> memref<1x248x64xf32, #tpu.memory_space<vmem>>
      %dma_start3A_373 = tpu.memref_squeeze %dma_start3A_372 : memref<1x248x64xf32, #tpu.memory_space<vmem>> -> memref<248x64xf32, #tpu.memory_space<vmem>>
      %dma_start3A_374 = arith.constant 0 : i32
      %dma_start3A_375 = tpu.memref_slice %arg3[%multiple_of3A_367, %dma_start3A_374] : memref<1000000x64xf32, #tpu.memory_space<hbm>> -> memref<248x64xf32, #tpu.memory_space<hbm>>
      %dma_start3A_376 = tpu.memref_slice %arg6[%dma_start3A_369] : memref<4x!tpu.dma_semaphore, #tpu.memory_space<semaphore_mem>> -> memref<1x!tpu.dma_semaphore, #tpu.memory_space<semaphore_mem>>
      %dma_start3A_377 = tpu.memref_squeeze %dma_start3A_376 : memref<1x!tpu.dma_semaphore, #tpu.memory_space<semaphore_mem>> -> memref<!tpu.dma_semaphore, #tpu.memory_space<semaphore_mem>>
      %dma_start3A_378 = arith.constant 0 : i32
      %dma_start3A_379 = tpu.memref_slice %arg3[%multiple_of3A_367, %dma_start3A_378] : memref<1000000x64xf32, #tpu.memory_space<hbm>> -> memref<248x64xf32, #tpu.memory_space<hbm>>
      %dma_start3A_380 = arith.constant 0 : i32
      %dma_start3A_381 = arith.constant 0 : i32
      %dma_start3A_382 = tpu.memref_slice %arg4[%dma_start3A_368, %dma_start3A_380, %dma_start3A_381] : memref<4x248x64xf32, #tpu.memory_space<vmem>> -> memref<1x248x64xf32, #tpu.memory_space<vmem>>
      %dma_start3A_383 = tpu.memref_squeeze %dma_start3A_382 : memref<1x248x64xf32, #tpu.memory_space<vmem>> -> memref<248x64xf32, #tpu.memory_space<vmem>>
      tpu.enqueue_dma source(%dma_start3A_383 : memref<248x64xf32, #tpu.memory_space<vmem>>) target(%dma_start3A_379 : memref<248x64xf32, #tpu.memory_space<hbm>>) target_semaphore(%dma_start3A_377 : memref<!tpu.dma_semaphore, #tpu.memory_space<semaphore_mem>>)
      %add3A_384 = arith.constant 2 : i32
      %add3A_385 = arith.addi %add3A_343, %add3A_384 : i32
      %ge3A_386 = arith.constant 2 : i32
      %ge3A_387 = arith.cmpi sge, %add3A_343, %ge3A_386 : i32
      %convert_element_type3A_388 = arith.extui %ge3A_387 : i1 to i32
      %cond3A_389 = arith.constant 0 : i32
      %cond3A_390 = arith.cmpi ne, %convert_element_type3A_388, %cond3A_389 : i32
      scf.if %cond3A_390 {
        %sub3A = arith.constant 4 : i32
        %sub3A_482 = arith.subi %add3A_385, %sub3A : i32
        %mul3A_483 = arith.constant 248 : i32
        %mul3A_484 = arith.muli %sub3A_482, %mul3A_483 : i32
        %add3A_485 = arith.addi %multiple_of3A, %mul3A_484 : i32
        %multiple_of3A_486 = tpu.assume_multiple %add3A_485, 8 : i32
        %dma_wait3A_487 = arith.constant 0 : i32
        %dma_wait3A_488 = arith.constant 0 : i32
        %dma_wait3A_489 = arith.constant 0 : i32
        %dma_wait3A_490 = arith.constant 0 : i32
        %dma_wait3A_491 = tpu.memref_slice %arg4[%dma_wait3A_487, %dma_wait3A_489, %dma_wait3A_490] : memref<4x248x64xf32, #tpu.memory_space<vmem>> -> memref<1x248x64xf32, #tpu.memory_space<vmem>>
        %dma_wait3A_492 = tpu.memref_squeeze %dma_wait3A_491 : memref<1x248x64xf32, #tpu.memory_space<vmem>> -> memref<248x64xf32, #tpu.memory_space<vmem>>
        %dma_wait3A_493 = arith.constant 0 : i32
        %dma_wait3A_494 = tpu.memref_slice %arg3[%multiple_of3A_486, %dma_wait3A_493] : memref<1000000x64xf32, #tpu.memory_space<hbm>> -> memref<248x64xf32, #tpu.memory_space<hbm>>
        %dma_wait3A_495 = tpu.memref_slice %arg6[%dma_wait3A_488] : memref<4x!tpu.dma_semaphore, #tpu.memory_space<semaphore_mem>> -> memref<1x!tpu.dma_semaphore, #tpu.memory_space<semaphore_mem>>
        %dma_wait3A_496 = tpu.memref_squeeze %dma_wait3A_495 : memref<1x!tpu.dma_semaphore, #tpu.memory_space<semaphore_mem>> -> memref<!tpu.dma_semaphore, #tpu.memory_space<semaphore_mem>>
        %dma_wait3A_497 = arith.constant 0 : i32
        %dma_wait3A_498 = tpu.memref_slice %arg3[%multiple_of3A_486, %dma_wait3A_497] : memref<1000000x64xf32, #tpu.memory_space<hbm>> -> memref<248x64xf32, #tpu.memory_space<hbm>>
        %dma_wait3A_499 = arith.constant 0 : i32
        %dma_wait3A_500 = arith.constant 0 : i32
        %dma_wait3A_501 = tpu.memref_slice %arg4[%dma_wait3A_487, %dma_wait3A_499, %dma_wait3A_500] : memref<4x248x64xf32, #tpu.memory_space<vmem>> -> memref<1x248x64xf32, #tpu.memory_space<vmem>>
        %dma_wait3A_502 = tpu.memref_squeeze %dma_wait3A_501 : memref<1x248x64xf32, #tpu.memory_space<vmem>> -> memref<248x64xf32, #tpu.memory_space<vmem>>
        tpu.wait_dma2 semaphore(%dma_wait3A_496 : memref<!tpu.dma_semaphore, #tpu.memory_space<semaphore_mem>>) src(%dma_wait3A_502 : memref<248x64xf32, #tpu.memory_space<vmem>>) dst(%dma_wait3A_498 : memref<248x64xf32, #tpu.memory_space<hbm>>)
      } else {
      }
      %mul3A_391 = arith.constant 248 : i32
      %mul3A_392 = arith.muli %add3A_385, %mul3A_391 : i32
      %add3A_393 = arith.addi %multiple_of3A, %mul3A_392 : i32
      %multiple_of3A_394 = tpu.assume_multiple %add3A_393, 8 : i32
      %dma_start3A_395 = arith.constant 0 : i32
      %dma_start3A_396 = arith.constant 0 : i32
      %dma_start3A_397 = arith.constant 0 : i32
      %dma_start3A_398 = arith.constant 0 : i32
      %dma_start3A_399 = tpu.memref_slice %arg4[%dma_start3A_395, %dma_start3A_397, %dma_start3A_398] : memref<4x248x64xf32, #tpu.memory_space<vmem>> -> memref<1x248x64xf32, #tpu.memory_space<vmem>>
      %dma_start3A_400 = tpu.memref_squeeze %dma_start3A_399 : memref<1x248x64xf32, #tpu.memory_space<vmem>> -> memref<248x64xf32, #tpu.memory_space<vmem>>
      %dma_start3A_401 = arith.constant 0 : i32
      %dma_start3A_402 = tpu.memref_slice %arg2[%multiple_of3A_394, %dma_start3A_401] : memref<1000000x64xf32, #tpu.memory_space<hbm>> -> memref<248x64xf32, #tpu.memory_space<hbm>>
      %dma_start3A_403 = tpu.memref_slice %arg5[%dma_start3A_396] : memref<4x!tpu.dma_semaphore, #tpu.memory_space<semaphore_mem>> -> memref<1x!tpu.dma_semaphore, #tpu.memory_space<semaphore_mem>>
      %dma_start3A_404 = tpu.memref_squeeze %dma_start3A_403 : memref<1x!tpu.dma_semaphore, #tpu.memory_space<semaphore_mem>> -> memref<!tpu.dma_semaphore, #tpu.memory_space<semaphore_mem>>
      %dma_start3A_405 = arith.constant 0 : i32
      %dma_start3A_406 = arith.constant 0 : i32
      %dma_start3A_407 = tpu.memref_slice %arg4[%dma_start3A_395, %dma_start3A_405, %dma_start3A_406] : memref<4x248x64xf32, #tpu.memory_space<vmem>> -> memref<1x248x64xf32, #tpu.memory_space<vmem>>
      %dma_start3A_408 = tpu.memref_squeeze %dma_start3A_407 : memref<1x248x64xf32, #tpu.memory_space<vmem>> -> memref<248x64xf32, #tpu.memory_space<vmem>>
      %dma_start3A_409 = arith.constant 0 : i32
      %dma_start3A_410 = tpu.memref_slice %arg2[%multiple_of3A_394, %dma_start3A_409] : memref<1000000x64xf32, #tpu.memory_space<hbm>> -> memref<248x64xf32, #tpu.memory_space<hbm>>
      tpu.enqueue_dma source(%dma_start3A_410 : memref<248x64xf32, #tpu.memory_space<hbm>>) target(%dma_start3A_408 : memref<248x64xf32, #tpu.memory_space<vmem>>) target_semaphore(%dma_start3A_404 : memref<!tpu.dma_semaphore, #tpu.memory_space<semaphore_mem>>)
      %mul3A_411 = arith.constant 4 : i32
      %mul3A_412 = arith.muli %scan3A_198, %mul3A_411 : i32
      %add3A_413 = arith.constant 3 : i32
      %add3A_414 = arith.addi %mul3A_412, %add3A_413 : i32
      %mul3A_415 = arith.constant 248 : i32
      %mul3A_416 = arith.muli %add3A_414, %mul3A_415 : i32
      %add3A_417 = arith.addi %multiple_of3A, %mul3A_416 : i32
      %multiple_of3A_418 = tpu.assume_multiple %add3A_417, 8 : i32
      %dma_wait3A_419 = arith.constant 3 : i32
      %dma_wait3A_420 = arith.constant 3 : i32
      %dma_wait3A_421 = arith.constant 0 : i32
      %dma_wait3A_422 = arith.constant 0 : i32
      %dma_wait3A_423 = tpu.memref_slice %arg4[%dma_wait3A_419, %dma_wait3A_421, %dma_wait3A_422] : memref<4x248x64xf32, #tpu.memory_space<vmem>> -> memref<1x248x64xf32, #tpu.memory_space<vmem>>
      %dma_wait3A_424 = tpu.memref_squeeze %dma_wait3A_423 : memref<1x248x64xf32, #tpu.memory_space<vmem>> -> memref<248x64xf32, #tpu.memory_space<vmem>>
      %dma_wait3A_425 = arith.constant 0 : i32
      %dma_wait3A_426 = tpu.memref_slice %arg2[%multiple_of3A_418, %dma_wait3A_425] : memref<1000000x64xf32, #tpu.memory_space<hbm>> -> memref<248x64xf32, #tpu.memory_space<hbm>>
      %dma_wait3A_427 = tpu.memref_slice %arg5[%dma_wait3A_420] : memref<4x!tpu.dma_semaphore, #tpu.memory_space<semaphore_mem>> -> memref<1x!tpu.dma_semaphore, #tpu.memory_space<semaphore_mem>>
      %dma_wait3A_428 = tpu.memref_squeeze %dma_wait3A_427 : memref<1x!tpu.dma_semaphore, #tpu.memory_space<semaphore_mem>> -> memref<!tpu.dma_semaphore, #tpu.memory_space<semaphore_mem>>
      %dma_wait3A_429 = arith.constant 0 : i32
      %dma_wait3A_430 = arith.constant 0 : i32
      %dma_wait3A_431 = tpu.memref_slice %arg4[%dma_wait3A_419, %dma_wait3A_429, %dma_wait3A_430] : memref<4x248x64xf32, #tpu.memory_space<vmem>> -> memref<1x248x64xf32, #tpu.memory_space<vmem>>
      %dma_wait3A_432 = tpu.memref_squeeze %dma_wait3A_431 : memref<1x248x64xf32, #tpu.memory_space<vmem>> -> memref<248x64xf32, #tpu.memory_space<vmem>>
      %dma_wait3A_433 = arith.constant 0 : i32
      %dma_wait3A_434 = tpu.memref_slice %arg2[%multiple_of3A_418, %dma_wait3A_433] : memref<1000000x64xf32, #tpu.memory_space<hbm>> -> memref<248x64xf32, #tpu.memory_space<hbm>>
      tpu.wait_dma2 semaphore(%dma_wait3A_428 : memref<!tpu.dma_semaphore, #tpu.memory_space<semaphore_mem>>) src(%dma_wait3A_434 : memref<248x64xf32, #tpu.memory_space<hbm>>) dst(%dma_wait3A_432 : memref<248x64xf32, #tpu.memory_space<vmem>>)
      %mul3A_435 = arith.constant 248 : i32
      %mul3A_436 = arith.muli %add3A_414, %mul3A_435 : i32
      %add3A_437 = arith.addi %multiple_of3A, %mul3A_436 : i32
      %multiple_of3A_438 = tpu.assume_multiple %add3A_437, 8 : i32
      %dma_start3A_439 = arith.constant 3 : i32
      %dma_start3A_440 = arith.constant 3 : i32
      %dma_start3A_441 = arith.constant 0 : i32
      %dma_start3A_442 = arith.constant 0 : i32
      %dma_start3A_443 = tpu.memref_slice %arg4[%dma_start3A_439, %dma_start3A_441, %dma_start3A_442] : memref<4x248x64xf32, #tpu.memory_space<vmem>> -> memref<1x248x64xf32, #tpu.memory_space<vmem>>
      %dma_start3A_444 = tpu.memref_squeeze %dma_start3A_443 : memref<1x248x64xf32, #tpu.memory_space<vmem>> -> memref<248x64xf32, #tpu.memory_space<vmem>>
      %dma_start3A_445 = arith.constant 0 : i32
      %dma_start3A_446 = tpu.memref_slice %arg3[%multiple_of3A_438, %dma_start3A_445] : memref<1000000x64xf32, #tpu.memory_space<hbm>> -> memref<248x64xf32, #tpu.memory_space<hbm>>
      %dma_start3A_447 = tpu.memref_slice %arg6[%dma_start3A_440] : memref<4x!tpu.dma_semaphore, #tpu.memory_space<semaphore_mem>> -> memref<1x!tpu.dma_semaphore, #tpu.memory_space<semaphore_mem>>
      %dma_start3A_448 = tpu.memref_squeeze %dma_start3A_447 : memref<1x!tpu.dma_semaphore, #tpu.memory_space<semaphore_mem>> -> memref<!tpu.dma_semaphore, #tpu.memory_space<semaphore_mem>>
      %dma_start3A_449 = arith.constant 0 : i32
      %dma_start3A_450 = tpu.memref_slice %arg3[%multiple_of3A_438, %dma_start3A_449] : memref<1000000x64xf32, #tpu.memory_space<hbm>> -> memref<248x64xf32, #tpu.memory_space<hbm>>
      %dma_start3A_451 = arith.constant 0 : i32
      %dma_start3A_452 = arith.constant 0 : i32
      %dma_start3A_453 = tpu.memref_slice %arg4[%dma_start3A_439, %dma_start3A_451, %dma_start3A_452] : memref<4x248x64xf32, #tpu.memory_space<vmem>> -> memref<1x248x64xf32, #tpu.memory_space<vmem>>
      %dma_start3A_454 = tpu.memref_squeeze %dma_start3A_453 : memref<1x248x64xf32, #tpu.memory_space<vmem>> -> memref<248x64xf32, #tpu.memory_space<vmem>>
      tpu.enqueue_dma source(%dma_start3A_454 : memref<248x64xf32, #tpu.memory_space<vmem>>) target(%dma_start3A_450 : memref<248x64xf32, #tpu.memory_space<hbm>>) target_semaphore(%dma_start3A_448 : memref<!tpu.dma_semaphore, #tpu.memory_space<semaphore_mem>>)
      %add3A_455 = arith.constant 2 : i32
      %add3A_456 = arith.addi %add3A_414, %add3A_455 : i32
      %ge3A_457 = arith.constant 2 : i32
      %ge3A_458 = arith.cmpi sge, %add3A_414, %ge3A_457 : i32
      %convert_element_type3A_459 = arith.extui %ge3A_458 : i1 to i32
      %cond3A_460 = arith.constant 0 : i32
      %cond3A_461 = arith.cmpi ne, %convert_element_type3A_459, %cond3A_460 : i32
      scf.if %cond3A_461 {
        %sub3A = arith.constant 4 : i32
        %sub3A_482 = arith.subi %add3A_456, %sub3A : i32
        %mul3A_483 = arith.constant 248 : i32
        %mul3A_484 = arith.muli %sub3A_482, %mul3A_483 : i32
        %add3A_485 = arith.addi %multiple_of3A, %mul3A_484 : i32
        %multiple_of3A_486 = tpu.assume_multiple %add3A_485, 8 : i32
        %dma_wait3A_487 = arith.constant 1 : i32
        %dma_wait3A_488 = arith.constant 1 : i32
        %dma_wait3A_489 = arith.constant 0 : i32
        %dma_wait3A_490 = arith.constant 0 : i32
        %dma_wait3A_491 = tpu.memref_slice %arg4[%dma_wait3A_487, %dma_wait3A_489, %dma_wait3A_490] : memref<4x248x64xf32, #tpu.memory_space<vmem>> -> memref<1x248x64xf32, #tpu.memory_space<vmem>>
        %dma_wait3A_492 = tpu.memref_squeeze %dma_wait3A_491 : memref<1x248x64xf32, #tpu.memory_space<vmem>> -> memref<248x64xf32, #tpu.memory_space<vmem>>
        %dma_wait3A_493 = arith.constant 0 : i32
        %dma_wait3A_494 = tpu.memref_slice %arg3[%multiple_of3A_486, %dma_wait3A_493] : memref<1000000x64xf32, #tpu.memory_space<hbm>> -> memref<248x64xf32, #tpu.memory_space<hbm>>
        %dma_wait3A_495 = tpu.memref_slice %arg6[%dma_wait3A_488] : memref<4x!tpu.dma_semaphore, #tpu.memory_space<semaphore_mem>> -> memref<1x!tpu.dma_semaphore, #tpu.memory_space<semaphore_mem>>
        %dma_wait3A_496 = tpu.memref_squeeze %dma_wait3A_495 : memref<1x!tpu.dma_semaphore, #tpu.memory_space<semaphore_mem>> -> memref<!tpu.dma_semaphore, #tpu.memory_space<semaphore_mem>>
        %dma_wait3A_497 = arith.constant 0 : i32
        %dma_wait3A_498 = tpu.memref_slice %arg3[%multiple_of3A_486, %dma_wait3A_497] : memref<1000000x64xf32, #tpu.memory_space<hbm>> -> memref<248x64xf32, #tpu.memory_space<hbm>>
        %dma_wait3A_499 = arith.constant 0 : i32
        %dma_wait3A_500 = arith.constant 0 : i32
        %dma_wait3A_501 = tpu.memref_slice %arg4[%dma_wait3A_487, %dma_wait3A_499, %dma_wait3A_500] : memref<4x248x64xf32, #tpu.memory_space<vmem>> -> memref<1x248x64xf32, #tpu.memory_space<vmem>>
        %dma_wait3A_502 = tpu.memref_squeeze %dma_wait3A_501 : memref<1x248x64xf32, #tpu.memory_space<vmem>> -> memref<248x64xf32, #tpu.memory_space<vmem>>
        tpu.wait_dma2 semaphore(%dma_wait3A_496 : memref<!tpu.dma_semaphore, #tpu.memory_space<semaphore_mem>>) src(%dma_wait3A_502 : memref<248x64xf32, #tpu.memory_space<vmem>>) dst(%dma_wait3A_498 : memref<248x64xf32, #tpu.memory_space<hbm>>)
      } else {
      }
      %mul3A_462 = arith.constant 248 : i32
      %mul3A_463 = arith.muli %add3A_456, %mul3A_462 : i32
      %add3A_464 = arith.addi %multiple_of3A, %mul3A_463 : i32
      %multiple_of3A_465 = tpu.assume_multiple %add3A_464, 8 : i32
      %dma_start3A_466 = arith.constant 1 : i32
      %dma_start3A_467 = arith.constant 1 : i32
      %dma_start3A_468 = arith.constant 0 : i32
      %dma_start3A_469 = arith.constant 0 : i32
      %dma_start3A_470 = tpu.memref_slice %arg4[%dma_start3A_466, %dma_start3A_468, %dma_start3A_469] : memref<4x248x64xf32, #tpu.memory_space<vmem>> -> memref<1x248x64xf32, #tpu.memory_space<vmem>>
      %dma_start3A_471 = tpu.memref_squeeze %dma_start3A_470 : memref<1x248x64xf32, #tpu.memory_space<vmem>> -> memref<248x64xf32, #tpu.memory_space<vmem>>
      %dma_start3A_472 = arith.constant 0 : i32
      %dma_start3A_473 = tpu.memref_slice %arg2[%multiple_of3A_465, %dma_start3A_472] : memref<1000000x64xf32, #tpu.memory_space<hbm>> -> memref<248x64xf32, #tpu.memory_space<hbm>>
      %dma_start3A_474 = tpu.memref_slice %arg5[%dma_start3A_467] : memref<4x!tpu.dma_semaphore, #tpu.memory_space<semaphore_mem>> -> memref<1x!tpu.dma_semaphore, #tpu.memory_space<semaphore_mem>>
      %dma_start3A_475 = tpu.memref_squeeze %dma_start3A_474 : memref<1x!tpu.dma_semaphore, #tpu.memory_space<semaphore_mem>> -> memref<!tpu.dma_semaphore, #tpu.memory_space<semaphore_mem>>
      %dma_start3A_476 = arith.constant 0 : i32
      %dma_start3A_477 = arith.constant 0 : i32
      %dma_start3A_478 = tpu.memref_slice %arg4[%dma_start3A_466, %dma_start3A_476, %dma_start3A_477] : memref<4x248x64xf32, #tpu.memory_space<vmem>> -> memref<1x248x64xf32, #tpu.memory_space<vmem>>
      %dma_start3A_479 = tpu.memref_squeeze %dma_start3A_478 : memref<1x248x64xf32, #tpu.memory_space<vmem>> -> memref<248x64xf32, #tpu.memory_space<vmem>>
      %dma_start3A_480 = arith.constant 0 : i32
      %dma_start3A_481 = tpu.memref_slice %arg2[%multiple_of3A_465, %dma_start3A_480] : memref<1000000x64xf32, #tpu.memory_space<hbm>> -> memref<248x64xf32, #tpu.memory_space<hbm>>
      tpu.enqueue_dma source(%dma_start3A_481 : memref<248x64xf32, #tpu.memory_space<hbm>>) target(%dma_start3A_479 : memref<248x64xf32, #tpu.memory_space<vmem>>) target_semaphore(%dma_start3A_475 : memref<!tpu.dma_semaphore, #tpu.memory_space<semaphore_mem>>)
    }
    %scan3A_44 = arith.constant 31 : i32
    %add3A_45 = arith.constant 30752 : i32
    %add3A_46 = arith.addi %multiple_of3A, %add3A_45 : i32
    %multiple_of3A_47 = tpu.assume_multiple %add3A_46, 8 : i32
    %dma_wait3A = arith.constant 0 : i32
    %dma_wait3A_48 = arith.constant 0 : i32
    %dma_wait3A_49 = arith.constant 0 : i32
    %dma_wait3A_50 = arith.constant 0 : i32
    %dma_wait3A_51 = tpu.memref_slice %arg4[%dma_wait3A, %dma_wait3A_49, %dma_wait3A_50] : memref<4x248x64xf32, #tpu.memory_space<vmem>> -> memref<1x248x64xf32, #tpu.memory_space<vmem>>
    %dma_wait3A_52 = tpu.memref_squeeze %dma_wait3A_51 : memref<1x248x64xf32, #tpu.memory_space<vmem>> -> memref<248x64xf32, #tpu.memory_space<vmem>>
    %dma_wait3A_53 = arith.constant 0 : i32
    %dma_wait3A_54 = tpu.memref_slice %arg2[%multiple_of3A_47, %dma_wait3A_53] : memref<1000000x64xf32, #tpu.memory_space<hbm>> -> memref<248x64xf32, #tpu.memory_space<hbm>>
    %dma_wait3A_55 = tpu.memref_slice %arg5[%dma_wait3A_48] : memref<4x!tpu.dma_semaphore, #tpu.memory_space<semaphore_mem>> -> memref<1x!tpu.dma_semaphore, #tpu.memory_space<semaphore_mem>>
    %dma_wait3A_56 = tpu.memref_squeeze %dma_wait3A_55 : memref<1x!tpu.dma_semaphore, #tpu.memory_space<semaphore_mem>> -> memref<!tpu.dma_semaphore, #tpu.memory_space<semaphore_mem>>
    %dma_wait3A_57 = arith.constant 0 : i32
    %dma_wait3A_58 = arith.constant 0 : i32
    %dma_wait3A_59 = tpu.memref_slice %arg4[%dma_wait3A, %dma_wait3A_57, %dma_wait3A_58] : memref<4x248x64xf32, #tpu.memory_space<vmem>> -> memref<1x248x64xf32, #tpu.memory_space<vmem>>
    %dma_wait3A_60 = tpu.memref_squeeze %dma_wait3A_59 : memref<1x248x64xf32, #tpu.memory_space<vmem>> -> memref<248x64xf32, #tpu.memory_space<vmem>>
    %dma_wait3A_61 = arith.constant 0 : i32
    %dma_wait3A_62 = tpu.memref_slice %arg2[%multiple_of3A_47, %dma_wait3A_61] : memref<1000000x64xf32, #tpu.memory_space<hbm>> -> memref<248x64xf32, #tpu.memory_space<hbm>>
    tpu.wait_dma2 semaphore(%dma_wait3A_56 : memref<!tpu.dma_semaphore, #tpu.memory_space<semaphore_mem>>) src(%dma_wait3A_62 : memref<248x64xf32, #tpu.memory_space<hbm>>) dst(%dma_wait3A_60 : memref<248x64xf32, #tpu.memory_space<vmem>>)
    %add3A_63 = arith.constant 30752 : i32
    %add3A_64 = arith.addi %multiple_of3A, %add3A_63 : i32
    %multiple_of3A_65 = tpu.assume_multiple %add3A_64, 8 : i32
    %dma_start3A_66 = arith.constant 0 : i32
    %dma_start3A_67 = arith.constant 0 : i32
    %dma_start3A_68 = arith.constant 0 : i32
    %dma_start3A_69 = arith.constant 0 : i32
    %dma_start3A_70 = tpu.memref_slice %arg4[%dma_start3A_66, %dma_start3A_68, %dma_start3A_69] : memref<4x248x64xf32, #tpu.memory_space<vmem>> -> memref<1x248x64xf32, #tpu.memory_space<vmem>>
    %dma_start3A_71 = tpu.memref_squeeze %dma_start3A_70 : memref<1x248x64xf32, #tpu.memory_space<vmem>> -> memref<248x64xf32, #tpu.memory_space<vmem>>
    %dma_start3A_72 = arith.constant 0 : i32
    %dma_start3A_73 = tpu.memref_slice %arg3[%multiple_of3A_65, %dma_start3A_72] : memref<1000000x64xf32, #tpu.memory_space<hbm>> -> memref<248x64xf32, #tpu.memory_space<hbm>>
    %dma_start3A_74 = tpu.memref_slice %arg6[%dma_start3A_67] : memref<4x!tpu.dma_semaphore, #tpu.memory_space<semaphore_mem>> -> memref<1x!tpu.dma_semaphore, #tpu.memory_space<semaphore_mem>>
    %dma_start3A_75 = tpu.memref_squeeze %dma_start3A_74 : memref<1x!tpu.dma_semaphore, #tpu.memory_space<semaphore_mem>> -> memref<!tpu.dma_semaphore, #tpu.memory_space<semaphore_mem>>
    %dma_start3A_76 = arith.constant 0 : i32
    %dma_start3A_77 = tpu.memref_slice %arg3[%multiple_of3A_65, %dma_start3A_76] : memref<1000000x64xf32, #tpu.memory_space<hbm>> -> memref<248x64xf32, #tpu.memory_space<hbm>>
    %dma_start3A_78 = arith.constant 0 : i32
    %dma_start3A_79 = arith.constant 0 : i32
    %dma_start3A_80 = tpu.memref_slice %arg4[%dma_start3A_66, %dma_start3A_78, %dma_start3A_79] : memref<4x248x64xf32, #tpu.memory_space<vmem>> -> memref<1x248x64xf32, #tpu.memory_space<vmem>>
    %dma_start3A_81 = tpu.memref_squeeze %dma_start3A_80 : memref<1x248x64xf32, #tpu.memory_space<vmem>> -> memref<248x64xf32, #tpu.memory_space<vmem>>
    tpu.enqueue_dma source(%dma_start3A_81 : memref<248x64xf32, #tpu.memory_space<vmem>>) target(%dma_start3A_77 : memref<248x64xf32, #tpu.memory_space<hbm>>) target_semaphore(%dma_start3A_75 : memref<!tpu.dma_semaphore, #tpu.memory_space<semaphore_mem>>)
    %add3A_82 = arith.constant 30256 : i32
    %add3A_83 = arith.addi %multiple_of3A, %add3A_82 : i32
    %multiple_of3A_84 = tpu.assume_multiple %add3A_83, 8 : i32
    %dma_wait3A_85 = arith.constant 2 : i32
    %dma_wait3A_86 = arith.constant 2 : i32
    %dma_wait3A_87 = arith.constant 0 : i32
    %dma_wait3A_88 = arith.constant 0 : i32
    %dma_wait3A_89 = tpu.memref_slice %arg4[%dma_wait3A_85, %dma_wait3A_87, %dma_wait3A_88] : memref<4x248x64xf32, #tpu.memory_space<vmem>> -> memref<1x248x64xf32, #tpu.memory_space<vmem>>
    %dma_wait3A_90 = tpu.memref_squeeze %dma_wait3A_89 : memref<1x248x64xf32, #tpu.memory_space<vmem>> -> memref<248x64xf32, #tpu.memory_space<vmem>>
    %dma_wait3A_91 = arith.constant 0 : i32
    %dma_wait3A_92 = tpu.memref_slice %arg3[%multiple_of3A_84, %dma_wait3A_91] : memref<1000000x64xf32, #tpu.memory_space<hbm>> -> memref<248x64xf32, #tpu.memory_space<hbm>>
    %dma_wait3A_93 = tpu.memref_slice %arg6[%dma_wait3A_86] : memref<4x!tpu.dma_semaphore, #tpu.memory_space<semaphore_mem>> -> memref<1x!tpu.dma_semaphore, #tpu.memory_space<semaphore_mem>>
    %dma_wait3A_94 = tpu.memref_squeeze %dma_wait3A_93 : memref<1x!tpu.dma_semaphore, #tpu.memory_space<semaphore_mem>> -> memref<!tpu.dma_semaphore, #tpu.memory_space<semaphore_mem>>
    %dma_wait3A_95 = arith.constant 0 : i32
    %dma_wait3A_96 = tpu.memref_slice %arg3[%multiple_of3A_84, %dma_wait3A_95] : memref<1000000x64xf32, #tpu.memory_space<hbm>> -> memref<248x64xf32, #tpu.memory_space<hbm>>
    %dma_wait3A_97 = arith.constant 0 : i32
    %dma_wait3A_98 = arith.constant 0 : i32
    %dma_wait3A_99 = tpu.memref_slice %arg4[%dma_wait3A_85, %dma_wait3A_97, %dma_wait3A_98] : memref<4x248x64xf32, #tpu.memory_space<vmem>> -> memref<1x248x64xf32, #tpu.memory_space<vmem>>
    %dma_wait3A_100 = tpu.memref_squeeze %dma_wait3A_99 : memref<1x248x64xf32, #tpu.memory_space<vmem>> -> memref<248x64xf32, #tpu.memory_space<vmem>>
    tpu.wait_dma2 semaphore(%dma_wait3A_94 : memref<!tpu.dma_semaphore, #tpu.memory_space<semaphore_mem>>) src(%dma_wait3A_100 : memref<248x64xf32, #tpu.memory_space<vmem>>) dst(%dma_wait3A_96 : memref<248x64xf32, #tpu.memory_space<hbm>>)
    %add3A_101 = arith.constant 31000 : i32
    %add3A_102 = arith.addi %multiple_of3A, %add3A_101 : i32
    %multiple_of3A_103 = tpu.assume_multiple %add3A_102, 8 : i32
    %dma_wait3A_104 = arith.constant 1 : i32
    %dma_wait3A_105 = arith.constant 1 : i32
    %dma_wait3A_106 = arith.constant 0 : i32
    %dma_wait3A_107 = arith.constant 0 : i32
    %dma_wait3A_108 = tpu.memref_slice %arg4[%dma_wait3A_104, %dma_wait3A_106, %dma_wait3A_107] : memref<4x248x64xf32, #tpu.memory_space<vmem>> -> memref<1x248x64xf32, #tpu.memory_space<vmem>>
    %dma_wait3A_109 = tpu.memref_squeeze %dma_wait3A_108 : memref<1x248x64xf32, #tpu.memory_space<vmem>> -> memref<248x64xf32, #tpu.memory_space<vmem>>
    %dma_wait3A_110 = arith.constant 0 : i32
    %dma_wait3A_111 = tpu.memref_slice %arg2[%multiple_of3A_103, %dma_wait3A_110] : memref<1000000x64xf32, #tpu.memory_space<hbm>> -> memref<248x64xf32, #tpu.memory_space<hbm>>
    %dma_wait3A_112 = tpu.memref_slice %arg5[%dma_wait3A_105] : memref<4x!tpu.dma_semaphore, #tpu.memory_space<semaphore_mem>> -> memref<1x!tpu.dma_semaphore, #tpu.memory_space<semaphore_mem>>
    %dma_wait3A_113 = tpu.memref_squeeze %dma_wait3A_112 : memref<1x!tpu.dma_semaphore, #tpu.memory_space<semaphore_mem>> -> memref<!tpu.dma_semaphore, #tpu.memory_space<semaphore_mem>>
    %dma_wait3A_114 = arith.constant 0 : i32
    %dma_wait3A_115 = arith.constant 0 : i32
    %dma_wait3A_116 = tpu.memref_slice %arg4[%dma_wait3A_104, %dma_wait3A_114, %dma_wait3A_115] : memref<4x248x64xf32, #tpu.memory_space<vmem>> -> memref<1x248x64xf32, #tpu.memory_space<vmem>>
    %dma_wait3A_117 = tpu.memref_squeeze %dma_wait3A_116 : memref<1x248x64xf32, #tpu.memory_space<vmem>> -> memref<248x64xf32, #tpu.memory_space<vmem>>
    %dma_wait3A_118 = arith.constant 0 : i32
    %dma_wait3A_119 = tpu.memref_slice %arg2[%multiple_of3A_103, %dma_wait3A_118] : memref<1000000x64xf32, #tpu.memory_space<hbm>> -> memref<248x64xf32, #tpu.memory_space<hbm>>
    tpu.wait_dma2 semaphore(%dma_wait3A_113 : memref<!tpu.dma_semaphore, #tpu.memory_space<semaphore_mem>>) src(%dma_wait3A_119 : memref<248x64xf32, #tpu.memory_space<hbm>>) dst(%dma_wait3A_117 : memref<248x64xf32, #tpu.memory_space<vmem>>)
    %add3A_120 = arith.constant 31000 : i32
    %add3A_121 = arith.addi %multiple_of3A, %add3A_120 : i32
    %multiple_of3A_122 = tpu.assume_multiple %add3A_121, 8 : i32
    %dma_start3A_123 = arith.constant 1 : i32
    %dma_start3A_124 = arith.constant 1 : i32
    %dma_start3A_125 = arith.constant 0 : i32
    %dma_start3A_126 = arith.constant 0 : i32
    %dma_start3A_127 = tpu.memref_slice %arg4[%dma_start3A_123, %dma_start3A_125, %dma_start3A_126] : memref<4x248x64xf32, #tpu.memory_space<vmem>> -> memref<1x248x64xf32, #tpu.memory_space<vmem>>
    %dma_start3A_128 = tpu.memref_squeeze %dma_start3A_127 : memref<1x248x64xf32, #tpu.memory_space<vmem>> -> memref<248x64xf32, #tpu.memory_space<vmem>>
    %dma_start3A_129 = arith.constant 0 : i32
    %dma_start3A_130 = tpu.memref_slice %arg3[%multiple_of3A_122, %dma_start3A_129] : memref<1000000x64xf32, #tpu.memory_space<hbm>> -> memref<248x64xf32, #tpu.memory_space<hbm>>
    %dma_start3A_131 = tpu.memref_slice %arg6[%dma_start3A_124] : memref<4x!tpu.dma_semaphore, #tpu.memory_space<semaphore_mem>> -> memref<1x!tpu.dma_semaphore, #tpu.memory_space<semaphore_mem>>
    %dma_start3A_132 = tpu.memref_squeeze %dma_start3A_131 : memref<1x!tpu.dma_semaphore, #tpu.memory_space<semaphore_mem>> -> memref<!tpu.dma_semaphore, #tpu.memory_space<semaphore_mem>>
    %dma_start3A_133 = arith.constant 0 : i32
    %dma_start3A_134 = tpu.memref_slice %arg3[%multiple_of3A_122, %dma_start3A_133] : memref<1000000x64xf32, #tpu.memory_space<hbm>> -> memref<248x64xf32, #tpu.memory_space<hbm>>
    %dma_start3A_135 = arith.constant 0 : i32
    %dma_start3A_136 = arith.constant 0 : i32
    %dma_start3A_137 = tpu.memref_slice %arg4[%dma_start3A_123, %dma_start3A_135, %dma_start3A_136] : memref<4x248x64xf32, #tpu.memory_space<vmem>> -> memref<1x248x64xf32, #tpu.memory_space<vmem>>
    %dma_start3A_138 = tpu.memref_squeeze %dma_start3A_137 : memref<1x248x64xf32, #tpu.memory_space<vmem>> -> memref<248x64xf32, #tpu.memory_space<vmem>>
    tpu.enqueue_dma source(%dma_start3A_138 : memref<248x64xf32, #tpu.memory_space<vmem>>) target(%dma_start3A_134 : memref<248x64xf32, #tpu.memory_space<hbm>>) target_semaphore(%dma_start3A_132 : memref<!tpu.dma_semaphore, #tpu.memory_space<semaphore_mem>>)
    %add3A_139 = arith.constant 30504 : i32
    %add3A_140 = arith.addi %multiple_of3A, %add3A_139 : i32
    %multiple_of3A_141 = tpu.assume_multiple %add3A_140, 8 : i32
    %dma_wait3A_142 = arith.constant 3 : i32
    %dma_wait3A_143 = arith.constant 3 : i32
    %dma_wait3A_144 = arith.constant 0 : i32
    %dma_wait3A_145 = arith.constant 0 : i32
    %dma_wait3A_146 = tpu.memref_slice %arg4[%dma_wait3A_142, %dma_wait3A_144, %dma_wait3A_145] : memref<4x248x64xf32, #tpu.memory_space<vmem>> -> memref<1x248x64xf32, #tpu.memory_space<vmem>>
    %dma_wait3A_147 = tpu.memref_squeeze %dma_wait3A_146 : memref<1x248x64xf32, #tpu.memory_space<vmem>> -> memref<248x64xf32, #tpu.memory_space<vmem>>
    %dma_wait3A_148 = arith.constant 0 : i32
    %dma_wait3A_149 = tpu.memref_slice %arg3[%multiple_of3A_141, %dma_wait3A_148] : memref<1000000x64xf32, #tpu.memory_space<hbm>> -> memref<248x64xf32, #tpu.memory_space<hbm>>
    %dma_wait3A_150 = tpu.memref_slice %arg6[%dma_wait3A_143] : memref<4x!tpu.dma_semaphore, #tpu.memory_space<semaphore_mem>> -> memref<1x!tpu.dma_semaphore, #tpu.memory_space<semaphore_mem>>
    %dma_wait3A_151 = tpu.memref_squeeze %dma_wait3A_150 : memref<1x!tpu.dma_semaphore, #tpu.memory_space<semaphore_mem>> -> memref<!tpu.dma_semaphore, #tpu.memory_space<semaphore_mem>>
    %dma_wait3A_152 = arith.constant 0 : i32
    %dma_wait3A_153 = tpu.memref_slice %arg3[%multiple_of3A_141, %dma_wait3A_152] : memref<1000000x64xf32, #tpu.memory_space<hbm>> -> memref<248x64xf32, #tpu.memory_space<hbm>>
    %dma_wait3A_154 = arith.constant 0 : i32
    %dma_wait3A_155 = arith.constant 0 : i32
    %dma_wait3A_156 = tpu.memref_slice %arg4[%dma_wait3A_142, %dma_wait3A_154, %dma_wait3A_155] : memref<4x248x64xf32, #tpu.memory_space<vmem>> -> memref<1x248x64xf32, #tpu.memory_space<vmem>>
    %dma_wait3A_157 = tpu.memref_squeeze %dma_wait3A_156 : memref<1x248x64xf32, #tpu.memory_space<vmem>> -> memref<248x64xf32, #tpu.memory_space<vmem>>
    tpu.wait_dma2 semaphore(%dma_wait3A_151 : memref<!tpu.dma_semaphore, #tpu.memory_space<semaphore_mem>>) src(%dma_wait3A_157 : memref<248x64xf32, #tpu.memory_space<vmem>>) dst(%dma_wait3A_153 : memref<248x64xf32, #tpu.memory_space<hbm>>)
    %add3A_158 = arith.constant 30752 : i32
    %add3A_159 = arith.addi %multiple_of3A, %add3A_158 : i32
    %multiple_of3A_160 = tpu.assume_multiple %add3A_159, 8 : i32
    %dma_wait3A_161 = arith.constant 0 : i32
    %dma_wait3A_162 = arith.constant 0 : i32
    %dma_wait3A_163 = arith.constant 0 : i32
    %dma_wait3A_164 = arith.constant 0 : i32
    %dma_wait3A_165 = tpu.memref_slice %arg4[%dma_wait3A_161, %dma_wait3A_163, %dma_wait3A_164] : memref<4x248x64xf32, #tpu.memory_space<vmem>> -> memref<1x248x64xf32, #tpu.memory_space<vmem>>
    %dma_wait3A_166 = tpu.memref_squeeze %dma_wait3A_165 : memref<1x248x64xf32, #tpu.memory_space<vmem>> -> memref<248x64xf32, #tpu.memory_space<vmem>>
    %dma_wait3A_167 = arith.constant 0 : i32
    %dma_wait3A_168 = tpu.memref_slice %arg3[%multiple_of3A_160, %dma_wait3A_167] : memref<1000000x64xf32, #tpu.memory_space<hbm>> -> memref<248x64xf32, #tpu.memory_space<hbm>>
    %dma_wait3A_169 = tpu.memref_slice %arg6[%dma_wait3A_162] : memref<4x!tpu.dma_semaphore, #tpu.memory_space<semaphore_mem>> -> memref<1x!tpu.dma_semaphore, #tpu.memory_space<semaphore_mem>>
    %dma_wait3A_170 = tpu.memref_squeeze %dma_wait3A_169 : memref<1x!tpu.dma_semaphore, #tpu.memory_space<semaphore_mem>> -> memref<!tpu.dma_semaphore, #tpu.memory_space<semaphore_mem>>
    %dma_wait3A_171 = arith.constant 0 : i32
    %dma_wait3A_172 = tpu.memref_slice %arg3[%multiple_of3A_160, %dma_wait3A_171] : memref<1000000x64xf32, #tpu.memory_space<hbm>> -> memref<248x64xf32, #tpu.memory_space<hbm>>
    %dma_wait3A_173 = arith.constant 0 : i32
    %dma_wait3A_174 = arith.constant 0 : i32
    %dma_wait3A_175 = tpu.memref_slice %arg4[%dma_wait3A_161, %dma_wait3A_173, %dma_wait3A_174] : memref<4x248x64xf32, #tpu.memory_space<vmem>> -> memref<1x248x64xf32, #tpu.memory_space<vmem>>
    %dma_wait3A_176 = tpu.memref_squeeze %dma_wait3A_175 : memref<1x248x64xf32, #tpu.memory_space<vmem>> -> memref<248x64xf32, #tpu.memory_space<vmem>>
    tpu.wait_dma2 semaphore(%dma_wait3A_170 : memref<!tpu.dma_semaphore, #tpu.memory_space<semaphore_mem>>) src(%dma_wait3A_176 : memref<248x64xf32, #tpu.memory_space<vmem>>) dst(%dma_wait3A_172 : memref<248x64xf32, #tpu.memory_space<hbm>>)
    %add3A_177 = arith.constant 31000 : i32
    %add3A_178 = arith.addi %multiple_of3A, %add3A_177 : i32
    %multiple_of3A_179 = tpu.assume_multiple %add3A_178, 8 : i32
    %dma_wait3A_180 = arith.constant 1 : i32
    %dma_wait3A_181 = arith.constant 1 : i32
    %dma_wait3A_182 = arith.constant 0 : i32
    %dma_wait3A_183 = arith.constant 0 : i32
    %dma_wait3A_184 = tpu.memref_slice %arg4[%dma_wait3A_180, %dma_wait3A_182, %dma_wait3A_183] : memref<4x248x64xf32, #tpu.memory_space<vmem>> -> memref<1x248x64xf32, #tpu.memory_space<vmem>>
    %dma_wait3A_185 = tpu.memref_squeeze %dma_wait3A_184 : memref<1x248x64xf32, #tpu.memory_space<vmem>> -> memref<248x64xf32, #tpu.memory_space<vmem>>
    %dma_wait3A_186 = arith.constant 0 : i32
    %dma_wait3A_187 = tpu.memref_slice %arg3[%multiple_of3A_179, %dma_wait3A_186] : memref<1000000x64xf32, #tpu.memory_space<hbm>> -> memref<248x64xf32, #tpu.memory_space<hbm>>
    %dma_wait3A_188 = tpu.memref_slice %arg6[%dma_wait3A_181] : memref<4x!tpu.dma_semaphore, #tpu.memory_space<semaphore_mem>> -> memref<1x!tpu.dma_semaphore, #tpu.memory_space<semaphore_mem>>
    %dma_wait3A_189 = tpu.memref_squeeze %dma_wait3A_188 : memref<1x!tpu.dma_semaphore, #tpu.memory_space<semaphore_mem>> -> memref<!tpu.dma_semaphore, #tpu.memory_space<semaphore_mem>>
    %dma_wait3A_190 = arith.constant 0 : i32
    %dma_wait3A_191 = tpu.memref_slice %arg3[%multiple_of3A_179, %dma_wait3A_190] : memref<1000000x64xf32, #tpu.memory_space<hbm>> -> memref<248x64xf32, #tpu.memory_space<hbm>>
    %dma_wait3A_192 = arith.constant 0 : i32
    %dma_wait3A_193 = arith.constant 0 : i32
    %dma_wait3A_194 = tpu.memref_slice %arg4[%dma_wait3A_180, %dma_wait3A_192, %dma_wait3A_193] : memref<4x248x64xf32, #tpu.memory_space<vmem>> -> memref<1x248x64xf32, #tpu.memory_space<vmem>>
    %dma_wait3A_195 = tpu.memref_squeeze %dma_wait3A_194 : memref<1x248x64xf32, #tpu.memory_space<vmem>> -> memref<248x64xf32, #tpu.memory_space<vmem>>
    tpu.wait_dma2 semaphore(%dma_wait3A_189 : memref<!tpu.dma_semaphore, #tpu.memory_space<semaphore_mem>>) src(%dma_wait3A_195 : memref<248x64xf32, #tpu.memory_space<vmem>>) dst(%dma_wait3A_191 : memref<248x64xf32, #tpu.memory_space<hbm>>)
    %eq3A = arith.constant 0 : i32
    %eq3A_196 = arith.cmpi eq, %add3A, %eq3A : i32
    %convert_element_type3A = arith.extui %eq3A_196 : i1 to i32
    %cond3A = arith.constant 0 : i32
    %cond3A_197 = arith.cmpi ne, %convert_element_type3A, %cond3A : i32
    scf.if %cond3A_197 {
      %run_scoped3A = arith.constant 0 : i32
      "tpu.region"() ({
        %run_scoped3A_199 = tpu.sem_alloc : memref<!tpu.dma_semaphore, #tpu.memory_space<semaphore_mem>>
        %dma_start3A_200 = arith.constant 0 : i32
        %dma_start3A_201 = arith.constant 0 : i32
        %dma_start3A_202 = tpu.memref_slice %arg4[%run_scoped3A, %dma_start3A_200, %dma_start3A_201] : memref<4x248x64xf32, #tpu.memory_space<vmem>> -> memref<1x64x64xf32, #tpu.memory_space<vmem>>
        %dma_start3A_203 = tpu.memref_squeeze %dma_start3A_202 : memref<1x64x64xf32, #tpu.memory_space<vmem>> -> memref<64x64xf32, #tpu.memory_space<vmem>>
        %dma_start3A_204 = arith.constant 999936 : i32
        %dma_start3A_205 = arith.constant 0 : i32
        %dma_start3A_206 = tpu.memref_slice %arg2[%dma_start3A_204, %dma_start3A_205] : memref<1000000x64xf32, #tpu.memory_space<hbm>> -> memref<64x64xf32, #tpu.memory_space<hbm>>
        %dma_start3A_207 = arith.constant 0 : i32
        %dma_start3A_208 = arith.constant 0 : i32
        %dma_start3A_209 = tpu.memref_slice %arg4[%run_scoped3A, %dma_start3A_207, %dma_start3A_208] : memref<4x248x64xf32, #tpu.memory_space<vmem>> -> memref<1x64x64xf32, #tpu.memory_space<vmem>>
        %dma_start3A_210 = tpu.memref_squeeze %dma_start3A_209 : memref<1x64x64xf32, #tpu.memory_space<vmem>> -> memref<64x64xf32, #tpu.memory_space<vmem>>
        %dma_start3A_211 = arith.constant 999936 : i32
        %dma_start3A_212 = arith.constant 0 : i32
        %dma_start3A_213 = tpu.memref_slice %arg2[%dma_start3A_211, %dma_start3A_212] : memref<1000000x64xf32, #tpu.memory_space<hbm>> -> memref<64x64xf32, #tpu.memory_space<hbm>>
        tpu.enqueue_dma source(%dma_start3A_213 : memref<64x64xf32, #tpu.memory_space<hbm>>) target(%dma_start3A_210 : memref<64x64xf32, #tpu.memory_space<vmem>>) target_semaphore(%run_scoped3A_199 : memref<!tpu.dma_semaphore, #tpu.memory_space<semaphore_mem>>)
        %dma_wait3A_214 = arith.constant 0 : i32
        %dma_wait3A_215 = arith.constant 0 : i32
        %dma_wait3A_216 = tpu.memref_slice %arg4[%run_scoped3A, %dma_wait3A_214, %dma_wait3A_215] : memref<4x248x64xf32, #tpu.memory_space<vmem>> -> memref<1x64x64xf32, #tpu.memory_space<vmem>>
        %dma_wait3A_217 = tpu.memref_squeeze %dma_wait3A_216 : memref<1x64x64xf32, #tpu.memory_space<vmem>> -> memref<64x64xf32, #tpu.memory_space<vmem>>
        %dma_wait3A_218 = arith.constant 999936 : i32
        %dma_wait3A_219 = arith.constant 0 : i32
        %dma_wait3A_220 = tpu.memref_slice %arg2[%dma_wait3A_218, %dma_wait3A_219] : memref<1000000x64xf32, #tpu.memory_space<hbm>> -> memref<64x64xf32, #tpu.memory_space<hbm>>
        %dma_wait3A_221 = arith.constant 0 : i32
        %dma_wait3A_222 = arith.constant 0 : i32
        %dma_wait3A_223 = tpu.memref_slice %arg4[%run_scoped3A, %dma_wait3A_221, %dma_wait3A_222] : memref<4x248x64xf32, #tpu.memory_space<vmem>> -> memref<1x64x64xf32, #tpu.memory_space<vmem>>
        %dma_wait3A_224 = tpu.memref_squeeze %dma_wait3A_223 : memref<1x64x64xf32, #tpu.memory_space<vmem>> -> memref<64x64xf32, #tpu.memory_space<vmem>>
        %dma_wait3A_225 = arith.constant 999936 : i32
        %dma_wait3A_226 = arith.constant 0 : i32
        %dma_wait3A_227 = tpu.memref_slice %arg2[%dma_wait3A_225, %dma_wait3A_226] : memref<1000000x64xf32, #tpu.memory_space<hbm>> -> memref<64x64xf32, #tpu.memory_space<hbm>>
        tpu.wait_dma2 semaphore(%run_scoped3A_199 : memref<!tpu.dma_semaphore, #tpu.memory_space<semaphore_mem>>) src(%dma_wait3A_227 : memref<64x64xf32, #tpu.memory_space<hbm>>) dst(%dma_wait3A_224 : memref<64x64xf32, #tpu.memory_space<vmem>>)
        tpu.yield
      }) : () -> ()
      %run_scoped3A_198 = arith.constant 0 : i32
      "tpu.region"() ({
        %run_scoped3A_199 = tpu.sem_alloc : memref<!tpu.dma_semaphore, #tpu.memory_space<semaphore_mem>>
        %dma_start3A_200 = arith.constant 0 : i32
        %dma_start3A_201 = arith.constant 0 : i32
        %dma_start3A_202 = tpu.memref_slice %arg4[%run_scoped3A_198, %dma_start3A_200, %dma_start3A_201] : memref<4x248x64xf32, #tpu.memory_space<vmem>> -> memref<1x64x64xf32, #tpu.memory_space<vmem>>
        %dma_start3A_203 = tpu.memref_squeeze %dma_start3A_202 : memref<1x64x64xf32, #tpu.memory_space<vmem>> -> memref<64x64xf32, #tpu.memory_space<vmem>>
        %dma_start3A_204 = arith.constant 999936 : i32
        %dma_start3A_205 = arith.constant 0 : i32
        %dma_start3A_206 = tpu.memref_slice %arg3[%dma_start3A_204, %dma_start3A_205] : memref<1000000x64xf32, #tpu.memory_space<hbm>> -> memref<64x64xf32, #tpu.memory_space<hbm>>
        %dma_start3A_207 = arith.constant 999936 : i32
        %dma_start3A_208 = arith.constant 0 : i32
        %dma_start3A_209 = tpu.memref_slice %arg3[%dma_start3A_207, %dma_start3A_208] : memref<1000000x64xf32, #tpu.memory_space<hbm>> -> memref<64x64xf32, #tpu.memory_space<hbm>>
        %dma_start3A_210 = arith.constant 0 : i32
        %dma_start3A_211 = arith.constant 0 : i32
        %dma_start3A_212 = tpu.memref_slice %arg4[%run_scoped3A_198, %dma_start3A_210, %dma_start3A_211] : memref<4x248x64xf32, #tpu.memory_space<vmem>> -> memref<1x64x64xf32, #tpu.memory_space<vmem>>
        %dma_start3A_213 = tpu.memref_squeeze %dma_start3A_212 : memref<1x64x64xf32, #tpu.memory_space<vmem>> -> memref<64x64xf32, #tpu.memory_space<vmem>>
        tpu.enqueue_dma source(%dma_start3A_213 : memref<64x64xf32, #tpu.memory_space<vmem>>) target(%dma_start3A_209 : memref<64x64xf32, #tpu.memory_space<hbm>>) target_semaphore(%run_scoped3A_199 : memref<!tpu.dma_semaphore, #tpu.memory_space<semaphore_mem>>)
        %dma_wait3A_214 = arith.constant 0 : i32
        %dma_wait3A_215 = arith.constant 0 : i32
        %dma_wait3A_216 = tpu.memref_slice %arg4[%run_scoped3A_198, %dma_wait3A_214, %dma_wait3A_215] : memref<4x248x64xf32, #tpu.memory_space<vmem>> -> memref<1x64x64xf32, #tpu.memory_space<vmem>>
        %dma_wait3A_217 = tpu.memref_squeeze %dma_wait3A_216 : memref<1x64x64xf32, #tpu.memory_space<vmem>> -> memref<64x64xf32, #tpu.memory_space<vmem>>
        %dma_wait3A_218 = arith.constant 999936 : i32
        %dma_wait3A_219 = arith.constant 0 : i32
        %dma_wait3A_220 = tpu.memref_slice %arg3[%dma_wait3A_218, %dma_wait3A_219] : memref<1000000x64xf32, #tpu.memory_space<hbm>> -> memref<64x64xf32, #tpu.memory_space<hbm>>
        %dma_wait3A_221 = arith.constant 999936 : i32
        %dma_wait3A_222 = arith.constant 0 : i32
        %dma_wait3A_223 = tpu.memref_slice %arg3[%dma_wait3A_221, %dma_wait3A_222] : memref<1000000x64xf32, #tpu.memory_space<hbm>> -> memref<64x64xf32, #tpu.memory_space<hbm>>
        %dma_wait3A_224 = arith.constant 0 : i32
        %dma_wait3A_225 = arith.constant 0 : i32
        %dma_wait3A_226 = tpu.memref_slice %arg4[%run_scoped3A_198, %dma_wait3A_224, %dma_wait3A_225] : memref<4x248x64xf32, #tpu.memory_space<vmem>> -> memref<1x64x64xf32, #tpu.memory_space<vmem>>
        %dma_wait3A_227 = tpu.memref_squeeze %dma_wait3A_226 : memref<1x64x64xf32, #tpu.memory_space<vmem>> -> memref<64x64xf32, #tpu.memory_space<vmem>>
        tpu.wait_dma2 semaphore(%run_scoped3A_199 : memref<!tpu.dma_semaphore, #tpu.memory_space<semaphore_mem>>) src(%dma_wait3A_227 : memref<64x64xf32, #tpu.memory_space<vmem>>) dst(%dma_wait3A_223 : memref<64x64xf32, #tpu.memory_space<hbm>>)
        tpu.yield
      }) : () -> ()
    } else {
    }
    return
  }
}

</mosaic_0001>

<sc_bundles>
// kernel: kernel.3.cloned.1.call-start
scs
__scs_entry_jumppad:
0x0: {  	(pc) =	sbr.rel $0x88, $3  }
0x1: {  	(tag) =	ssettag $0x0;
	lr =	simm.s32 $0x1  }
0x2: {  	[smem:$0x3FA0] =	sst lr;
	_ =	strace $0xD0000000  }
0x3: {  	_ = 	snop  }
0x4: {  	_ = 	snop  }
0x5: {  	_ = 	snop  }
0x6: {  	_ = 	snop  }
0x7: {  	_ = 	snop  }
__scs_overlays_trampoline_lowered:
0x8: {  	[smem:$0x3FAF] =	sst s0  }
0x9: {  	[smem:$0x3FB0] =	sst s1  }
0xa: {  	[smem:$0x3FB1] =	sst s2  }
0xb: {  	[smem:$0x3FB2] =	sst s3  }
0xc: {  	[smem:$0x3FB3] =	sst s4  }
0xd: {  	[smem:$0x3FB4] =	sst s5  }
0xe: {  	[smem:$0x3FB5] =	sst s6  }
0xf: {  	[smem:$0x3FB6] =	sst s7  }
0x10: {  	[smem:$0x3FB7] =	sst s8  }
0x11: {  	[smem:$0x3FB8] =	sst s9;
	s0 =	simm.s32 @!p0 $0x0  }
0x12: {  	s1 =	sld [smem:$0x3F9E];
	s0 =	simm.s32 @p0 $0x1  }
0x13: {  	[smem:$0x3FB9] =	sst s0;
	s0 =	simm.s32 @!p1 $0x0  }
0x14: {  	s2 =	sld [smem:$0x3F9D];
	s0 =	simm.s32 @p1 $0x1  }
0x15: {  	[smem:$0x3FBA] =	sst s0;
	s0 =	simm.s32 @!p2 $0x0  }
0x16: {  	s3 =	sld [smem:$0x3FDB];
	s0 =	simm.s32 @p2 $0x1  }
0x17: {  	s4 =	simm.s32 $0x1BF5;
	[smem:$0x3FBC] =	sst s0  }
0x18: {  	s0 =	sld [smem:$0x3F9F];
	_ =	swait.ge [sflag:s4], $0x0  }
0x19: {  	s7 =	sld [smem:$0x3FA0]  }
0x1a: {  	s8 =	sadd.s32 $0xFFFFE003, lr  }
0x1b: {  	s9 =	sadd.s32 $0xFFFFFEF7, lr;
	s5 =	simm.s32 $0xFFFFFFFF;
	p2 =	slt.u32 s8, $0xFFFFF086  }
0x1c: {  	p1 =	slt.u32 s9, $0xF7A;
	s5 =	simm.s32 @!p2 $0x0  }
0x1d: {  	s5 =	simm.s32 @p1 $0x1;
	p0 =	seq.s32 s7, s2  }
0x1e: {  	s7 =	smul.u32 @!p0 $0xF7A, s2;
	p2 =	seq.s32 @!p0 s5, $0x0  }
0x1f: {  	s9 =	smul.u32 $0xF7A, s1;
	s8 =	simm.s32 @!p0 $0x1BF5;
	p2 =	por !p2, p0  }
0x20: {  	[sflag:s8] =	ssyncset.s32 @!p0 $0xFFFFF086;
	s6 =	sadd.s32 @!p0 s3, s7;
	s7 =	simm.s32 @!p0 $0x108  }
0x21: {  	s3 =	sadd.s32 s3, s9;
	s6 =	sadd.s32 @!p0 $0x88, s6;
	s7 =	simm.s32 @p2 $0x1082  }
0x22: {  	[simem:s7], [sflag:s8] =	dma.local @!p0 [hbm:s6], $0xF7A  }
0x23: {  	s9 =	sor.u32 $0xD0000000, s2;
	s6 =	simm.s32 $0x108;
	_ =	swait.ge @!p0 [sflag:s8], $0x0  }
0x24: {  	s3 =	sadd.s32 $0x88, s3;
	s6 =	simm.s32 @!p1 $0x1082;
	[sflag:s4] =	ssyncset.s32 $0xFFFFF086  }
0x25: {  	[simem:s6], [sflag:s4] =	dma.local [hbm:s3], $0xF7A  }
0x26: {  	[smem:$0x3FA0] =	sst s1;
	(tag) =	ssettag s2;
	_ =	strace s9  }
0x27: {  	s1 =	sld [smem:$0x3FB0]  }
0x28: {  	s2 =	sld [smem:$0x3FB1]  }
0x29: {  	s4 =	sld [smem:$0x3FB3]  }
0x2a: {  	p0 =	seq.s32 s5, $0x0;
	s5 =	sld [smem:$0x3FB4]  }
0x2b: {  	s6 =	sld [smem:$0x3FB5]  }
0x2c: {  	s7 =	sld [smem:$0x3FB6]  }
0x2d: {  	s3 =	simm.s32 $0x108;
	s8 =	sld [smem:$0x3FB7]  }
0x2e: {  	s3 =	simm.s32 @!p0 $0x1082;
	s9 =	sld [smem:$0x3FB8]  }
0x2f: {  	lr =	sadd.s32 s0, s3;
	s0 =	sld [smem:$0x3FAF]  }
0x30: {  	s3 =	sld [smem:$0x3FB2]  }
0x31: {  	[smem:$0x3FBB] =	sst s10  }
0x32: {  	s10 =	sld [smem:$0x3FB9];
	_ =	sdelay $0x3  }
0x33: {  	p0 =	seq.s32 s10, $0x1;
	s10 =	sld [smem:$0x3FBB];
	_ =	sdelay $0x3  }
0x34: {  	[smem:$0x3FBB] =	sst s10  }
0x35: {  	s10 =	sld [smem:$0x3FBA];
	_ =	sdelay $0x3  }
0x36: {  	p1 =	seq.s32 s10, $0x1;
	s10 =	sld [smem:$0x3FBB];
	_ =	sdelay $0x3  }
0x37: {  	[smem:$0x3FBB] =	sst s10  }
0x38: {  	s10 =	sld [smem:$0x3FBC]  }
0x39: {  	_ = 	snop;
	(pc) =	sbr.ind lr, $3  }
0x3a: {  	_ = 	snop  }
0x3b: {  	_ = 	snop  }
0x3c: {  	p2 =	seq.s32 s10, $0x1;
	s10 =	sld [smem:$0x3FBB]  }
0x3d: {  	_ =	shalt  }
0x3e: {  	_ =	shalt  }
0x3f: {  	_ =	shalt  }
0x40: {  	_ =	shalt  }
0x41: {  	_ =	shalt  }
0x42: {  	_ =	shalt  }
0x43: {  	_ =	shalt  }
0x44: {  	_ =	shalt  }
0x45: {  	_ =	shalt  }
0x46: {  	_ =	shalt  }
0x47: {  	_ =	shalt  }
0x48: {  	_ =	shalt  }
0x49: {  	_ =	shalt  }
0x4a: {  	_ =	shalt  }
0x4b: {  	_ =	shalt  }
0x4c: {  	_ =	shalt  }
0x4d: {  	_ =	shalt  }
0x4e: {  	_ =	shalt  }
0x4f: {  	_ =	shalt  }
0x50: {  	_ =	shalt  }
0x51: {  	_ =	shalt  }
0x52: {  	_ =	shalt  }
0x53: {  	_ =	shalt  }
0x54: {  	_ =	shalt  }
0x55: {  	_ =	shalt  }
0x56: {  	_ =	shalt  }
0x57: {  	_ =	shalt  }
0x58: {  	_ =	shalt  }
0x59: {  	_ =	shalt  }
0x5a: {  	_ =	shalt  }
0x5b: {  	_ =	shalt  }
0x5c: {  	_ =	shalt  }
0x5d: {  	_ =	shalt  }
0x5e: {  	_ =	shalt  }
0x5f: {  	_ =	shalt  }
0x60: {  	_ =	shalt  }
0x61: {  	_ =	shalt  }
0x62: {  	_ =	shalt  }
0x63: {  	_ =	shalt  }
0x64: {  	_ =	shalt  }
0x65: {  	_ =	shalt  }
0x66: {  	_ =	shalt  }
0x67: {  	_ =	shalt  }
0x68: {  	_ =	shalt  }
0x69: {  	_ =	shalt  }
0x6a: {  	_ =	shalt  }
0x6b: {  	_ =	shalt  }
0x6c: {  	_ =	shalt  }
0x6d: {  	_ =	shalt  }
0x6e: {  	_ =	shalt  }
0x6f: {  	_ =	shalt  }
0x70: {  	_ =	shalt  }
0x71: {  	_ =	shalt  }
0x72: {  	_ =	shalt  }
0x73: {  	_ =	shalt  }
0x74: {  	_ =	shalt  }
0x75: {  	_ =	shalt  }
0x76: {  	_ =	shalt  }
0x77: {  	_ =	shalt  }
0x78: {  	_ =	shalt  }
0x79: {  	_ =	shalt  }
0x7a: {  	_ =	shalt  }
0x7b: {  	_ =	shalt  }
0x7c: {  	_ =	shalt  }
0x7d: {  	_ =	shalt  }
0x7e: {  	_ =	shalt  }
0x7f: {  	_ =	shalt  }
0x80: {  	_ =	shalt  }
0x81: {  	_ =	shalt  }
0x82: {  	_ =	shalt  }
0x83: {  	_ =	shalt  }
0x84: {  	_ =	shalt  }
0x85: {  	_ =	shalt  }
0x86: {  	_ =	shalt  }
0x87: {  	_ =	shalt  }
.Lfunc_end0:
.L_simem_size_0:
called_computation_lowered:
.L_overlay_start_0:
0x88: {  	s2 =	sld [smem:$0x3FD9]  }
0x89: {  	s3 =	sld [smem:$0x3FFE];
	_ =	sdelay $0x1  }
0x8a: {  	s1 =	srdreg.scid  }
0x8b: {  	s0 =	sand.u32 $0x1, s1  }
0x8c: {  	s16 =	sshll.u32 s0, $0xA;
	s2 =	sadd.s32 s3, s2  }
0x8d: {  	s2 =	sadd.s32 s2, s16  }
0x8e: {  	[smem:$0x3FC7] =	sst s2  }
0x8f: {  	_ = 	snop  }
0x90: {  	(tm) =	ssettm $0x1  }
0x91: {  	s17 =	sld [smem:$0x3FFB];
	_ =	sdelay $0x3  }
0x92: {  	_ =	strace s17  }
0x93: {  	s2 =	sld [smem:$0x3FFC];
	_ =	sdelay $0x3  }
0x94: {  	_ =	strace s2  }
0x95: {  	s2 =	sld [smem:$0x3FFD];
	_ =	sdelay $0x3  }
0x96: {  	_ =	strace s2  }
0x97: {  	_ =	strace $0x8FFFFFFF  }
0x98: {  	s18 =	sld [smem:$0x3FDB];
	_ =	sdelay $0x1  }
0x99: {  	s19 =	simm.s32 $_scs_section_size  }
0x9a: {  	s4 =	simm.s32 $_size__tile_overlayer_lowered;
	s5 =	simm.s32 $_tile_overlayer_lowered  }
0x9b: {  	s22 =	simm.s32 $0x1BFF;
	s21 =	sshll.u32 s5, $0x1;
	s2 =	sadd.s32 s19, s18  }
0x9c: {  	s6 =	simm.s32 $0x0;
	s20 =	sshll.u32 s4, $0x1;
	s4 =	sadd.s32 s21, s2  }
0x9d: {  	[timem:s6], [sflag:s22] =	dma.local [hbm:s4], s20  }
0x9e: {  	_ =	swait.ge [sflag:s22], s20  }
0x9f: {  	s3 =	ssub.s32 $0x0, s20;
	[sflag:s22] =	ssyncset.done $0x0  }
0xa0: {  	[sflag:s22] =	ssyncadd.s32 s3;
	_ =	sdelay $0x1  }
0xa1: {  	s23 =	simm.s32 $0x1B8B  }
0xa2: {  	_ =	swait.ge [sflag:s23], $0x1  }
0xa3: {  	[sflag:s23] =	ssyncset.done $0x0  }
0xa4: {  	s25 =	simm.s32 $0x1B8E;
	s24 =	sld [smem:$0x3FFE];
	[sflag:s23] =	ssyncadd.s32 $0xFFFFFFFF  }
0xa5: {  	s26 =	simm.s32 $execute0_lowered;
	[smem:$0x3FD2] =	sst s25  }
0xa6: {  	s4 =	sshll.u32 s26, $0x1;
	_ =	strace $0x80000046;
	[dreg:$0x1] =	wrdreg $0xFFFFFFFF  }
0xa7: {  	s28 =	simm.s32 $_size_execute0_lowered;
	s2 =	sadd.s32 s2, s4;
	[dreg:$0x0] =	wrdreg $0x0  }
0xa8: {  	s4 =	sshll.u32 s28, $0x1;
	[dreg:$0x2] =	wrdreg s2  }
0xa9: {  	[dreg:$0x3] =	wrdreg s4  }
0xaa: {  	[dreg:$0x4] =	wrdreg $0xC0  }
0xab: {  	_ =	task [dreg:s6], $0x5FFFF  }
0xac: {  	[dreg:$0x1] =	wrdreg $0xFFFFFFFF  }
0xad: {  	[dreg:$0x0] =	wrdreg $0x60  }
0xae: {  	[dreg:$0x2] =	wrdreg s24  }
0xaf: {  	[dreg:$0x3] =	wrdreg $0x9  }
0xb0: {  	_ =	task.clear_ibuf [dreg:s6], $0x4FFFF;
	_ =	strace $0x90000046  }
0xb1: {  	s29 =	simm.s32 $0x9;
	_ =	strace $0x80000048  }
0xb2: {  	_ =	swait.ge [sflag:s29], $0x1  }
0xb3: {  	[sflag:s29] =	ssyncadd.s32 $0xFFFFFFFF  }
0xb4: {  	_ =	strace $0x90000048  }
0xb5: {  	_ =	sfence  }
0xb6: {  	s30 =	sld [smem:$0x0];
	_ =	sdelay $0x2  }
0xb7: {  	s31 =	sshll.u32 s1, $0xD;
	s1 =	sshrl.u32 s1, $0x2  }
0xb8: {  	s3 =	sand.u32 $0x4000, s31;
	s1 =	sadd.s32 s1, s30  }
0xb9: {  	s0 =	sor.u32 s3, s0;
	s1 =	sshll.u32 s1, $0x11  }
0xba: {  	s0 =	sor.u32 s1, s0  }
0xbb: {  	s0 =	sadd.s32 $0x8F2B, s0  }
0xbc: {  	[sflag:s0] =	ssyncadd.remote.s32 $0x1  }
0xbd: {  	_ =	sfence.sel $0xFFFF  }
0xbe: {  	[dreg:$0x0] =	wrdreg $0xFFFFFFFF;
	(pc) =	sbr.abs _section_cstart, $3  }
0xbf: {  	[dreg:$0x1] =	wrdreg $0xFFFFFFFF  }
0xc0: {  	_ =	task.clear_ibuf [dreg:s6], $0x2FFFF;
	_ =	strace $0x9FFFFFFF  }
0xc1: {  	(tm) =	ssettm $0x7FFFFFFF  }
tec
execute0_lowered:
.L_overlay_start_1:
0x0: {  	(tag) =	ssettag $0x1  }
0x1: {  	s1 =	srdreg.scid  }
0x2: {  	s0 =	stileid.u32;
	s8 =	rddreg [dreg:$0x0];
	s2 =	simm.s32 $0x0  }
0x3: {  	s15 =	simm.s32 $0x2;
	s16 =	simm.s32 $0x17400;
	s17 =	simm.s32 $0x3  }
0x4: {  	s18 =	simm.s32 $0x5;
	s19 =	simm.s32 $0x4;
	s20 =	simm.s32 $0x6  }
0x5: {  	s22 =	simm.s32 $0x8;
	s23 =	simm.s32 $0x0;
	s9 =	sand.u32 $0x1, s1  }
0x6: {  	s3 =	sshll.u32 s0, $0x1;
	[smem:$0x7FF] =	sst s2;
	s13 =	smul.u32 $0xF4200, s0  }
0x7: {  	s10 =	sadd.s32 $0x400, s8;
	s21 =	sor.u32 s9, s3;
	s14 =	smul.u32 $0x7A100, s9  }
0x8: {  	s1 =	rddreg [dreg:$0x1];
	s11 =	sadd.s32 $0xF42800, s8;
	s3 =	smul.u32 $0x3D0800, s21  }
0x9: {  	_ =	strace $0x80000047;
	s4 =	ssub.s32 $0x2, s9;
	s6 =	smul.u32 $0x7A100, s21  }
0xa: {  	s5 =	sshrl.u32 s4, $0x1;
	p0 =	sne.s32 s21, $0x0;
	s21 =	simm.s32 $0x7  }
0xb: {  	s12 =	ssub.s32 s4, s5;
	s7 =	sshrl.u32 s3, $0x3;
	s3 =	sadd.s32 s10, s6  }
0xc: {  	s6 =	sadd.s32 $0xF42400, s8;
	s8 =	sadd.s32 $0x1E84800, s8;
	s9 =	smax.u32 s12, $0x1  }
0xd: {  	s12 =	simm.s32 $0x7C00;
	s31 =	sadd.s32 s10, s7;
	s7 =	sadd.s32 s11, s7  }
0xe: {  	s10 =	sadd.s32 s13, s10;
	s11 =	sadd.s32 s13, s11;
	s13 =	simm.s32 $0x1  }
0xf: {  	s4 =	sadd.s32 $0xF80, s31;
	s5 =	sadd.s32 $0x78200, s7;
	s7 =	sadd.s32 $0x79180, s7  }
0x10: {  	s10 =	sadd.s32 s14, s10;
	s11 =	sadd.s32 s14, s11;
	s14 =	simm.s32 $0xF800  }
.LBB2_1:
0x11: {  	[tilespmem:s2], [sflag:$0x1] =	stream.linear.gather [hbm4b:s3+s2], $0x7C00, $0x38;
	[tilespmem:$0x1F000] =	vst v63  }
0x12: {  	_ = 	snop  }
0x13: {  	[tilespmem:s12], [sflag:$0x2] =	stream.linear.gather [hbm4b:s4+s2], $0x7C00, $0x38;
	[tilespmem:$0x1F000] =	vst v63  }
0x14: {  	_ =	swait.ge [sflag:s13], $0x7C00  }
0x15: {  	p1 =	por $0x1, $0x1;
	[sflag:s13] =	ssyncset.done $0x0  }
0x16: {  	s24 =	sadd.s32 $0x0, s11;
	s25 =	simm.s32 @!p1 $0x7;
	[sflag:s13] =	ssyncadd.s32 $0xFFFF8400  }
0x17: {  	[hbm4b:s24+s2] =	stream.linear.scatter [tilespmem:s2], [sflag:$0x5], $0x7C00, $0x38;
	[tilespmem:$0x1F000] =	vst v63  }
0x18: {  	_ =	swait.ge @!p1 [sflag:s25], $0x7C00  }
0x19: {  	s26 =	sadd.s32 $0x0, s10;
	[sflag:s25] =	ssyncset.done @!p1 $0x0  }
0x1a: {  	s28 =	sadd.s32 $0x1F00, s26;
	[sflag:s25] =	ssyncadd.s32 @!p1 $0xFFFF8400  }
0x1b: {  	[tilespmem:s14], [sflag:$0x3] =	stream.linear.gather [hbm4b:s28+s2], $0x7C00, $0x38;
	[tilespmem:$0x1F000] =	vst v63  }
0x1c: {  	_ =	swait.ge [sflag:s15], $0x7C00  }
0x1d: {  	[sflag:s15] =	ssyncset.done $0x0  }
0x1e: {  	s31 =	sadd.s32 $0xF80, s24;
	s28 =	simm.s32 @!p1 $0x8;
	[sflag:s15] =	ssyncadd.s32 $0xFFFF8400  }
0x1f: {  	[hbm4b:s31+s2] =	stream.linear.scatter [tilespmem:s12], [sflag:$0x6], $0x7C00, $0x38;
	[tilespmem:$0x1F000] =	vst v63  }
0x20: {  	_ =	swait.ge @!p1 [sflag:s28], $0x7C00  }
0x21: {  	[sflag:s28] =	ssyncset.done @!p1 $0x0  }
0x22: {  	s29 =	sadd.s32 $0x2E80, s26;
	[sflag:s28] =	ssyncadd.s32 @!p1 $0xFFFF8400  }
0x23: {  	[tilespmem:s16], [sflag:$0x4] =	stream.linear.gather [hbm4b:s29+s2], $0x7C00, $0x38;
	[tilespmem:$0x1F000] =	vst v63  }
0x24: {  	_ =	swait.ge [sflag:s17], $0x7C00  }
0x25: {  	[sflag:s17] =	ssyncset.done $0x0  }
0x26: {  	s30 =	sadd.s32 $0x1F00, s24;
	[sflag:s17] =	ssyncadd.s32 $0xFFFF8400  }
0x27: {  	[hbm4b:s30+s2] =	stream.linear.scatter [tilespmem:s14], [sflag:$0x7], $0x7C00, $0x38;
	[tilespmem:$0x1F000] =	vst v63  }
0x28: {  	_ =	swait.ge [sflag:s18], $0x7C00  }
0x29: {  	[sflag:s18] =	ssyncset.done $0x0  }
0x2a: {  	s31 =	sadd.s32 $0x3E00, s26;
	[sflag:s18] =	ssyncadd.s32 $0xFFFF8400  }
0x2b: {  	[tilespmem:s2], [sflag:$0x1] =	stream.linear.gather [hbm4b:s31+s2], $0x7C00, $0x38;
	[tilespmem:$0x1F000] =	vst v63  }
0x2c: {  	_ =	swait.ge [sflag:s19], $0x7C00  }
0x2d: {  	[sflag:s19] =	ssyncset.done $0x0  }
0x2e: {  	s24 =	sadd.s32 $0x2E80, s24;
	[sflag:s19] =	ssyncadd.s32 $0xFFFF8400  }
0x2f: {  	[hbm4b:s24+s2] =	stream.linear.scatter [tilespmem:s16], [sflag:$0x8], $0x7C00, $0x38;
	[tilespmem:$0x1F000] =	vst v63  }
0x30: {  	_ =	swait.ge [sflag:s20], $0x7C00  }
0x31: {  	s25 =	sadd.s32 $0x4D80, s26;
	s24 =	simm.s32 $0x3E00;
	[sflag:s20] =	ssyncset.done $0x0  }
.LBB2_2:
0x32: {  	[sflag:s20] =	ssyncadd.s32 $0xFFFF8400;
	s26 =	smov.u32 s24;
	s24 =	sadd.s32 $0x3E00, s24  }
0x33: {  	[tilespmem:s12], [sflag:$0x2] =	stream.linear.gather [hbm4b:s25+s2], $0x7C00, $0x38;
	[tilespmem:$0x1F000] =	vst v63  }
0x34: {  	p1 =	sne.s32 s24, $0x78200;
	_ =	swait.ge [sflag:s13], $0x7C00  }
0x35: {  	s25 =	sadd.s32 s26, s11;
	p2 =	seq.s32 s26, $0x0;
	[sflag:s13] =	ssyncset.done $0x0  }
0x36: {  	s28 =	simm.s32 @!p2 $0x7;
	[sflag:s13] =	ssyncadd.s32 $0xFFFF8400  }
0x37: {  	[hbm4b:s25+s2] =	stream.linear.scatter [tilespmem:s2], [sflag:$0x5], $0x7C00, $0x38;
	[tilespmem:$0x1F000] =	vst v63  }
0x38: {  	s26 =	sadd.s32 s26, s10;
	_ =	swait.ge @!p2 [sflag:s28], $0x7C00  }
0x39: {  	s29 =	sadd.s32 $0x1F00, s26;
	[sflag:s28] =	ssyncset.done @!p2 $0x0  }
0x3a: {  	[sflag:s28] =	ssyncadd.s32 @!p2 $0xFFFF8400  }
0x3b: {  	[tilespmem:s14], [sflag:$0x3] =	stream.linear.gather [hbm4b:s29+s2], $0x7C00, $0x38;
	[tilespmem:$0x1F000] =	vst v63  }
0x3c: {  	_ =	swait.ge [sflag:s15], $0x7C00  }
0x3d: {  	s28 =	sadd.s32 $0xF80, s25;
	[sflag:s15] =	ssyncset.done $0x0  }
0x3e: {  	s29 =	simm.s32 @!p2 $0x8;
	[sflag:s15] =	ssyncadd.s32 $0xFFFF8400  }
0x3f: {  	[hbm4b:s28+s2] =	stream.linear.scatter [tilespmem:s12], [sflag:$0x6], $0x7C00, $0x38;
	[tilespmem:$0x1F000] =	vst v63  }
0x40: {  	_ =	swait.ge @!p2 [sflag:s29], $0x7C00  }
0x41: {  	s28 =	sadd.s32 $0x2E80, s26;
	[sflag:s29] =	ssyncset.done @!p2 $0x0  }
0x42: {  	[sflag:s29] =	ssyncadd.s32 @!p2 $0xFFFF8400  }
0x43: {  	[tilespmem:s16], [sflag:$0x4] =	stream.linear.gather [hbm4b:s28+s2], $0x7C00, $0x38;
	[tilespmem:$0x1F000] =	vst v63  }
0x44: {  	_ =	swait.ge [sflag:s17], $0x7C00  }
0x45: {  	s28 =	sadd.s32 $0x1F00, s25;
	[sflag:s17] =	ssyncset.done $0x0  }
0x46: {  	[sflag:s17] =	ssyncadd.s32 $0xFFFF8400  }
0x47: {  	[hbm4b:s28+s2] =	stream.linear.scatter [tilespmem:s14], [sflag:$0x7], $0x7C00, $0x38;
	[tilespmem:$0x1F000] =	vst v63  }
0x48: {  	_ =	swait.ge [sflag:s18], $0x7C00  }
0x49: {  	s28 =	sadd.s32 $0x3E00, s26;
	[sflag:s18] =	ssyncset.done $0x0  }
0x4a: {  	[sflag:s18] =	ssyncadd.s32 $0xFFFF8400  }
0x4b: {  	[tilespmem:s2], [sflag:$0x1] =	stream.linear.gather [hbm4b:s28+s2], $0x7C00, $0x38;
	[tilespmem:$0x1F000] =	vst v63  }
0x4c: {  	_ =	swait.ge [sflag:s19], $0x7C00  }
.Ltmp0:
0x4d: {  	s25 =	sadd.s32 $0x2E80, s25;
	[sflag:s19] =	ssyncset.done $0x0;
	(pc) =	sbr.rel @p1 .LBB2_2-.Ltmp0, $4  }
0x4e: {  	[sflag:s19] =	ssyncadd.s32 $0xFFFF8400  }
0x4f: {  	[hbm4b:s25+s2] =	stream.linear.scatter [tilespmem:s16], [sflag:$0x8], $0x7C00, $0x38;
	[tilespmem:$0x1F000] =	vst v63  }
0x50: {  	_ =	swait.ge [sflag:s20], $0x7C00  }
0x51: {  	s25 =	sadd.s32 $0x4D80, s26;
	[sflag:s20] =	ssyncset.done $0x0  }
0x52: {  	[sflag:s20] =	ssyncadd.s32 $0xFFFF8400  }
0x53: {  	[tilespmem:s12], [sflag:$0x2] =	stream.linear.gather [hbm4b:s25+s2], $0x7C00, $0x38;
	[tilespmem:$0x1F000] =	vst v63  }
0x54: {  	_ =	swait.ge [sflag:s13], $0x7C00  }
0x55: {  	[sflag:s13] =	ssyncset.done $0x0  }
0x56: {  	[sflag:s13] =	ssyncadd.s32 $0xFFFF8400  }
0x57: {  	[hbm4b:s5+s2] =	stream.linear.scatter [tilespmem:s2], [sflag:$0x5], $0x7C00, $0x38;
	[tilespmem:$0x1F000] =	vst v63  }
0x58: {  	_ =	swait.ge [sflag:s21], $0x7C00  }
0x59: {  	[sflag:s21] =	ssyncset.done $0x0  }
0x5a: {  	[sflag:s21] =	ssyncadd.s32 $0xFFFF8400  }
0x5b: {  	_ =	swait.ge [sflag:s15], $0x7C00  }
0x5c: {  	[sflag:s15] =	ssyncset.done $0x0  }
0x5d: {  	[sflag:s15] =	ssyncadd.s32 $0xFFFF8400  }
0x5e: {  	[hbm4b:s7+s2] =	stream.linear.scatter [tilespmem:s12], [sflag:$0x6], $0x7C00, $0x38;
	[tilespmem:$0x1F000] =	vst v63  }
0x5f: {  	_ =	swait.ge [sflag:s22], $0x7C00  }
0x60: {  	[sflag:s22] =	ssyncset.done $0x0  }
0x61: {  	[sflag:s22] =	ssyncadd.s32 $0xFFFF8400  }
0x62: {  	_ =	swait.ge [sflag:s18], $0x7C00  }
0x63: {  	[sflag:s18] =	ssyncset.done $0x0  }
0x64: {  	[sflag:s18] =	ssyncadd.s32 $0xFFFF8400  }
0x65: {  	_ =	swait.ge [sflag:s20], $0x7C00  }
0x66: {  	[sflag:s20] =	ssyncset.done $0x0  }
0x67: {  	s24 =	simm.s32 @!p0 $0x0;
	s25 =	simm.s32 @!p0 $0x9;
	[sflag:s20] =	ssyncadd.s32 $0xFFFF8400  }
0x68: {  	[tilespmem:s24], [sflag:$0x9] =	stream.linear.gather @!p0 [hbm4b:s6+s24], $0x2000, $0x38;
	[tilespmem:$0x1F000] =	vst v63  }
0x69: {  	s23 =	sadd.s32 $0x1, s23;
	_ =	swait.ge @!p0 [sflag:s25], $0x2000  }
0x6a: {  	p1 =	sne.s32 s23, s9;
	[sflag:s25] =	ssyncset.done @!p0 $0x0  }
.Ltmp1:
0x6b: {  	[sflag:s25] =	ssyncadd.s32 @!p0 $0xFFFFE000;
	(pc) =	sbr.rel @p1 .LBB2_1-.Ltmp1, $4  }
0x6c: {  	[hbm4b:s8+s24] =	stream.linear.scatter @!p0 [tilespmem:s24], [sflag:$0x9], $0x2000, $0x38;
	[tilespmem:$0x1F000] =	vst v63  }
0x6d: {  	_ =	swait.ge @!p0 [sflag:s25], $0x2000  }
0x6e: {  	[sflag:s25] =	ssyncset.done @!p0 $0x0  }
0x6f: {  	[sflag:s25] =	ssyncadd.s32 @!p0 $0xFFFFE000  }
0x70: {  	_ =	sfence.sel $0x180000  }
0x71: {  	[bflag:$0x0] =	sbarrier.arrive $0xFFFF  }
0x72: {  	p0 =	sne.s32 s0, $0x0;
	_ =	strace $0x90000047  }
0x73: {  	s0 =	sadd.s32 @!p0 $0x100000, s1;
	[bflag:$0x2] =	sbarrier.arrive $0xFFFF  }
0x74: {  	[sflag:s0] =	ssyncadd.tile.s32 @!p0 $0x1;
	_ =	shalt  }
.Lfunc_end2:
_tile_overlayer_lowered:
.L_overlay_start_2:
0x75: {  	(tag) =	ssettag $0x2  }
0x76: {  	s0 =	rddreg [dreg:$0x0];
	s2 =	stileid.u32  }
0x77: {  	s1 =	rddreg [dreg:$0x1];
	p0 =	sne.s32 s2, $0x0  }
0x78: {  	s3 =	rddreg [dreg:$0x2];
	[bflag:$0x3] =	sbarrier.arrive $0xFFFF;
	s2 =	simm.s32 @!p0 $0x1C09  }
0x79: {  	[timem:s3], [sflag:s2] =	dma.local @!p0 [hbm:s0], s1  }
0x7a: {  	s0 =	simm.s32 @!p0 $0x9  }
0x7b: {  	_ =	swait.ge @!p0 [sflag:s0], s1  }
0x7c: {  	s1 =	ssub.s32 @!p0 $0x0, s1;
	[sflag:s0] =	ssyncset.done @!p0 $0x0  }
0x7d: {  	[sflag:s0] =	ssyncadd.s32 @!p0 s1  }
0x7e: {  	[bflag:$0x3] =	sbarrier.arrive $0xFFFF  }
0x7f: {  	_ =	shalt  }

</sc_bundles>
